<compile_context>
chip_gen: v7x
topology: tpu7x:2x2x1
jax: 0.10.2.dev20260603
libtpu: 0.0.44.dev20260713+nightly
codegen_flags: <defaults>
</compile_context>

<pallas_src>
import jax
import jax.numpy as jnp
from jax import lax
from jax.experimental import pallas as pl
from jax.experimental.pallas import tpu as pltpu
from jax.experimental.pallas import tpu_sc as plsc

B = 16
N = 262144
K = 512
L = 16
HALF = N // 2
CH = 16384
NCHUNK = HALF // CH
KC = K // L


def _body(pred_hbm, target_hbm, out_hbm, hist, stg_p, stg_t, allv, negv,
          tmp_a, tmp_n, asum, nsum, carr_a, carr_n, outv, shared, sem0, sem1):
    c = lax.axis_index("c")
    s = lax.axis_index("s")
    row = c * (B // 2) + s // 2
    half = s % 2
    base = half * HALF

    scale = jnp.float32(K - 1)
    bias16 = (lax.iota(jnp.int32, L) * K).astype(jnp.float32) + jnp.float32(2.0**23)
    zeros16 = jnp.zeros((L,), jnp.int32)
    one16 = jnp.full((L,), 1, jnp.int32)
    negone16 = jnp.full((L,), 16385, jnp.int32)

    sems = (sem0, sem1)

    def issue(b, g):
        off = base + g * CH
        pltpu.async_copy(pred_hbm.at[row, pl.ds(off, CH)], stg_p.at[b], sems[b])
        pltpu.async_copy(target_hbm.at[row, pl.ds(off, CH)], stg_t.at[b], sems[b])

    def waitbuf(b):
        pltpu.make_async_copy(pred_hbm.at[row, pl.ds(0, CH)], stg_p.at[b],
                              sems[b]).wait()
        pltpu.make_async_copy(target_hbm.at[row, pl.ds(0, CH)], stg_t.at[b],
                              sems[b]).wait()

    def process(b, g):
        @plsc.parallel_loop(0, CH, step=L, unroll=8)
        def _vec(i):
            p = stg_p[b, pl.ds(i, L)]
            t = stg_t[b, pl.ds(i, L)]
            d = p - t
            err = jnp.abs(d)
            m = err * scale + bias16
            idx = lax.bitcast_convert_type(m, jnp.int32) & 0x7FFFFF
            val = jnp.where(d < 0, one16, negone16)
            plsc.addupdate_scatter(hist, [idx], val)

    issue(0, 0)

    @plsc.parallel_loop(0, L * K, step=L, unroll=8)
    def _zero(i):
        hist[pl.ds(i, L)] = zeros16

    def chunk2(gg, _):
        issue(1, 2 * gg + 1)
        waitbuf(0)
        process(0, 2 * gg)

        @pl.when(gg < NCHUNK // 2 - 1)
        def _():
            issue(0, 2 * gg + 2)
        waitbuf(1)
        process(1, 2 * gg + 1)
        return 0
    lax.fori_loop(0, NCHUNK // 2, chunk2, 0)

    @plsc.parallel_loop(0, K, step=L, unroll=2)
    def _red(cc):
        acc_a = jnp.zeros((L,), jnp.int32)
        acc_n = jnp.zeros((L,), jnp.int32)
        for lane in range(L):
            v = hist[pl.ds(cc + lane * K, L)]
            acc_a = acc_a + (v & 16383)
            acc_n = acc_n + (v >> 14)
        allv[pl.ds(cc, L)] = acc_a.astype(jnp.float32)
        negv[pl.ds(cc, L)] = acc_n.astype(jnp.float32)

    pltpu.sync_copy(allv, shared.at[s, 0])
    pltpu.sync_copy(negv, shared.at[s, 1])
    plsc.subcore_barrier()

    @pl.when(half == 0)
    def _postprocess():
        pltpu.sync_copy(shared.at[s + 1, 0], tmp_a)
        pltpu.sync_copy(shared.at[s + 1, 1], tmp_n)

        @plsc.parallel_loop(0, KC, step=1, unroll=2)
        def _p1(cc):
            sl = pl.ds(cc * L, L)
            a = allv[sl] + tmp_a[sl]
            n = negv[sl] + tmp_n[sl]
            allv[sl] = a
            negv[sl] = n
            asum[cc] = jnp.sum(a)
            nsum[cc] = jnp.sum(n)

        def _p2(j, carry):
            ca, cn = carry
            cc = KC - 1 - j
            carr_a[cc] = ca
            carr_n[cc] = cn
            return ca + asum[cc], cn + nsum[cc]
        _, nneg = lax.fori_loop(
            0, KC, _p2,
            (jnp.zeros((), jnp.float32), jnp.zeros((), jnp.float32)))
        pf = jnp.float32(N) - nneg

        def _p3(cc, sj):
            sl = pl.ds(cc * L, L)
            a = allv[sl]
            n = negv[sl]
            ka = lax.rev(plsc.cumsum(lax.rev(a, (0,))), (0,)) + carr_a[cc]
            kn = lax.rev(plsc.cumsum(lax.rev(n, (0,))), (0,)) + carr_n[cc]
            jv = jnp.where(ka > 0, ka / (pf + kn), jnp.zeros((L,), jnp.float32))
            return sj + jv
        sj = plsc.parallel_loop(
            0, KC, step=1, unroll=2,
            carry=jnp.zeros((L,), jnp.float32))(_p3)
        loss = (jnp.sum(sj) - 1.0) * (1.0 / (K - 1))
        outv[...] = jnp.full((L,), loss, jnp.float32)
        pltpu.sync_copy(outv, out_hbm.at[row])


@jax.jit
def kernel(pred, target):
    kern = pl.kernel(
        _body,
        out_type=jax.ShapeDtypeStruct((B, L), jnp.float32),
        mesh=plsc.VectorSubcoreMesh(core_axis_name="c", subcore_axis_name="s"),
        compiler_params=pltpu.CompilerParams(needs_layout_passes=False),
        scratch_types=[
            pltpu.VMEM((L * K,), jnp.int32),
            pltpu.VMEM((2, CH), jnp.float32),
            pltpu.VMEM((2, CH), jnp.float32),
            pltpu.VMEM((K,), jnp.float32),
            pltpu.VMEM((K,), jnp.float32),
            pltpu.VMEM((K,), jnp.float32),
            pltpu.VMEM((K,), jnp.float32),
            pltpu.SMEM((KC,), jnp.float32),
            pltpu.SMEM((KC,), jnp.float32),
            pltpu.SMEM((KC,), jnp.float32),
            pltpu.SMEM((KC,), jnp.float32),
            pltpu.VMEM((L,), jnp.float32),
            pltpu.VMEM_SHARED((L, 2, K), jnp.float32),
            pltpu.SemaphoreType.DMA,
            pltpu.SemaphoreType.DMA,
        ],
    )
    out = kern(pred, target)
    return jnp.mean(out[:, 0])

# --- scband reference (transcript-rebuilt; emitter-appended) ---
"""Pipeline reference for scband-lovasz-loss-62947040690705 (READ-ONLY COPY).

The authoritative reference and input builder live on the scoring server;
editing this copy changes nothing except your own understanding.
"""

import jax, jax.numpy as jnp
import numpy as np


def setup_inputs(seed: int = 0) -> dict:
    key = jax.random.key(seed)
    k1, k2 = jax.random.split(key)
    B, N = 16, 262144
    pred = jax.random.uniform(k1, (B, N), dtype=jnp.float32)
    target = jax.random.randint(k2, (B, N), 0, 2).astype(jnp.float32)
    return {"pred": pred, "target": target}


def _lovasz_grad(gt_sorted):
    gts = gt_sorted.sum()
    intersection = gts - jnp.cumsum(gt_sorted, axis=0)
    union = gts + jnp.cumsum(1.0 - gt_sorted, axis=0)
    jaccard = 1.0 - intersection / union
    jaccard = jnp.concatenate([jaccard[:1], jaccard[1:] - jaccard[:-1]], axis=0)
    return jaccard


def _per_sample_loss(pred_b, target_b):
    errors = jnp.abs(pred_b - target_b)
    order = jnp.argsort(-errors)  # descending sort of errors
    sorted_errors = jnp.take(errors, order)
    sorted_target = jnp.take(target_b, order)
    grad = _lovasz_grad(sorted_target)
    return jnp.sum(sorted_errors * grad)


def reference(pred, target):
    losses = jax.vmap(_per_sample_loss)(pred, target)
    return jnp.mean(losses)

if __name__ == "__main__":
    import jax
    _d = setup_inputs()
    print(jax.jit(kernel)(*tuple(_d.values())))

</pallas_src>

<mosaic_0001>
#map = affine_map<(d0, d1) -> (0, 0)>
module attributes {stable_mosaic.version = 14 : i64} {
  func.func @_body(%arg0: i32, %arg1: i32, %arg2: memref<16x262144xf32, #tpu.memory_space<hbm>>, %arg3: memref<16x262144xf32, #tpu.memory_space<hbm>>, %arg4: memref<16x16xf32, #tpu.memory_space<hbm>>, %arg5: memref<8192xi32, #tpu.memory_space<vmem>>, %arg6: memref<2x16384xf32, #tpu.memory_space<vmem>>, %arg7: memref<2x16384xf32, #tpu.memory_space<vmem>>, %arg8: memref<512xf32, #tpu.memory_space<vmem>>, %arg9: memref<512xf32, #tpu.memory_space<vmem>>, %arg10: memref<512xf32, #tpu.memory_space<vmem>>, %arg11: memref<512xf32, #tpu.memory_space<vmem>>, %arg12: memref<32xf32, #tpu.memory_space<smem>>, %arg13: memref<32xf32, #tpu.memory_space<smem>>, %arg14: memref<32xf32, #tpu.memory_space<smem>>, %arg15: memref<32xf32, #tpu.memory_space<smem>>, %arg16: memref<16xf32, #tpu.memory_space<vmem>>, %arg17: memref<16x2x512xf32, #tpu.memory_space<vmem_shared>>, %arg18: memref<!tpu.dma_semaphore, #tpu.memory_space<semaphore_mem>>, %arg19: memref<!tpu.dma_semaphore, #tpu.memory_space<semaphore_mem>>) attributes {dimension_semantics = [#tpu.dimension_semantics<core_parallel>, #tpu.dimension_semantics<subcore_parallel>], iteration_bounds = array<i64: 2, 16>, scalar_prefetch = 0 : i64, scratch_operands = 15 : i64, tpu.core_type = #tpu.core_type<sc_vector_subcore>, window_params = [{transform_indices = #map}, {transform_indices = #map}, {transform_indices = #map}]} {
    %mul3A = arith.constant 8 : i32
    %mul3A_0 = arith.muli %arg0, %mul3A : i32
    %jit3A = arith.constant 2 : i32
    %div3A = arith.divsi %arg1, %jit3A : i32
    %sign3A = arith.constant 0 : i32
    %sign3A_1 = arith.cmpi sgt, %arg1, %sign3A : i32
    %sign3A_2 = arith.extui %sign3A_1 : i1 to i32
    %sign3A_3 = arith.constant 0 : i32
    %sign3A_4 = arith.cmpi slt, %arg1, %sign3A_3 : i32
    %sign3A_5 = arith.extui %sign3A_4 : i1 to i32
    %sign3A_6 = arith.subi %sign3A_2, %sign3A_5 : i32
    %sign3A_7 = arith.constant 0 : i32
    %sign3A_8 = arith.cmpi sgt, %jit3A, %sign3A_7 : i32
    %sign3A_9 = arith.extui %sign3A_8 : i1 to i32
    %sign3A_10 = arith.constant 0 : i32
    %sign3A_11 = arith.cmpi slt, %jit3A, %sign3A_10 : i32
    %sign3A_12 = arith.extui %sign3A_11 : i1 to i32
    %sign3A_13 = arith.subi %sign3A_9, %sign3A_12 : i32
    %ne3A = arith.cmpi ne, %sign3A_6, %sign3A_13 : i32
    %rem3A = arith.remsi %arg1, %jit3A : i32
    %ne3A_14 = arith.constant 0 : i32
    %ne3A_15 = arith.cmpi ne, %rem3A, %ne3A_14 : i32
    %and3A = arith.andi %ne3A, %ne3A_15 : i1
    %sub3A = arith.constant 1 : i32
    %sub3A_16 = arith.subi %div3A, %sub3A : i32
    %select_n3A = arith.select %and3A, %sub3A_16, %div3A : i32
    %add3A = arith.addi %mul3A_0, %select_n3A : i32
    %jit3A_17 = arith.constant 2 : i32
    %eq3A = arith.constant 0 : i32
    %eq3A_18 = arith.cmpi eq, %jit3A_17, %eq3A : i32
    %jit3A_19 = arith.constant 1 : i32
    %select_n3A_20 = arith.select %eq3A_18, %jit3A_19, %jit3A_17 : i32
    %rem3A_21 = arith.remsi %arg1, %select_n3A_20 : i32
    %ne3A_22 = arith.constant 0 : i32
    %ne3A_23 = arith.cmpi ne, %rem3A_21, %ne3A_22 : i32
    %lt3A = arith.constant 0 : i32
    %lt3A_24 = arith.cmpi slt, %rem3A_21, %lt3A : i32
    %lt3A_25 = arith.constant 0 : i32
    %lt3A_26 = arith.cmpi slt, %select_n3A_20, %lt3A_25 : i32
    %ne3A_27 = arith.xori %lt3A_24, %lt3A_26 : i1
    %and3A_28 = arith.andi %ne3A_27, %ne3A_23 : i1
    %add3A_29 = arith.addi %rem3A_21, %select_n3A_20 : i32
    %select_n3A_30 = arith.select %and3A_28, %add3A_29, %rem3A_21 : i32
    %mul3A_31 = arith.constant 131072 : i32
    %mul3A_32 = arith.muli %select_n3A_30, %mul3A_31 : i32
    %iota3A = tpu.iota {dimensions = array<i32: 0>} : vector<16xi32>
    %mul3A_33 = arith.constant 512 : i32
    %mul3A_34 = vector.broadcast %mul3A_33 : i32 to vector<16xi32>
    %mul3A_35 = arith.muli %iota3A, %mul3A_34 : vector<16xi32>
    %convert_element_type3A = arith.sitofp %mul3A_35 : vector<16xi32> to vector<16xf32>
    %add3A_36 = arith.constant 0x4B000000 : f32
    %add3A_37 = vector.broadcast %add3A_36 : f32 to vector<16xf32>
    %add3A_38 = arith.addf %convert_element_type3A, %add3A_37 : vector<16xf32>
    %broadcast_in_dim3A = arith.constant 0 : i32
    %broadcast_in_dim3A_39 = vector.broadcast %broadcast_in_dim3A : i32 to vector<16xi32>
    %broadcast_in_dim3A_40 = arith.constant 1 : i32
    %broadcast_in_dim3A_41 = vector.broadcast %broadcast_in_dim3A_40 : i32 to vector<16xi32>
    %broadcast_in_dim3A_42 = arith.constant 16385 : i32
    %broadcast_in_dim3A_43 = vector.broadcast %broadcast_in_dim3A_42 : i32 to vector<16xi32>
    %add3A_44 = arith.constant 0 : i32
    %add3A_45 = arith.addi %mul3A_32, %add3A_44 : i32
    %dma_start3A = arith.constant 0 : i32
    %dma_start3A_46 = arith.constant 0 : i32
    %dma_start3A_47 = tpu.memref_slice %arg6[%dma_start3A, %dma_start3A_46] : memref<2x16384xf32, #tpu.memory_space<vmem>> -> memref<1x16384xf32, #tpu.memory_space<vmem>>
    %dma_start3A_48 = tpu.memref_squeeze %dma_start3A_47 : memref<1x16384xf32, #tpu.memory_space<vmem>> -> memref<16384xf32, #tpu.memory_space<vmem>>
    %dma_start3A_49 = tpu.memref_slice %arg2[%add3A, %add3A_45] : memref<16x262144xf32, #tpu.memory_space<hbm>> -> memref<1x16384xf32, #tpu.memory_space<hbm>>
    %dma_start3A_50 = tpu.memref_squeeze %dma_start3A_49 : memref<1x16384xf32, #tpu.memory_space<hbm>> -> memref<16384xf32, #tpu.memory_space<hbm>>
    %dma_start3A_51 = arith.constant 0 : i32
    %dma_start3A_52 = tpu.memref_slice %arg6[%dma_start3A, %dma_start3A_51] : memref<2x16384xf32, #tpu.memory_space<vmem>> -> memref<1x16384xf32, #tpu.memory_space<vmem>>
    %dma_start3A_53 = tpu.memref_squeeze %dma_start3A_52 : memref<1x16384xf32, #tpu.memory_space<vmem>> -> memref<16384xf32, #tpu.memory_space<vmem>>
    %dma_start3A_54 = tpu.memref_slice %arg2[%add3A, %add3A_45] : memref<16x262144xf32, #tpu.memory_space<hbm>> -> memref<1x16384xf32, #tpu.memory_space<hbm>>
    %dma_start3A_55 = tpu.memref_squeeze %dma_start3A_54 : memref<1x16384xf32, #tpu.memory_space<hbm>> -> memref<16384xf32, #tpu.memory_space<hbm>>
    tpu.enqueue_dma source(%dma_start3A_55 : memref<16384xf32, #tpu.memory_space<hbm>>) target(%dma_start3A_53 : memref<16384xf32, #tpu.memory_space<vmem>>) target_semaphore(%arg18 : memref<!tpu.dma_semaphore, #tpu.memory_space<semaphore_mem>>)
    %dma_start3A_56 = arith.constant 0 : i32
    %dma_start3A_57 = arith.constant 0 : i32
    %dma_start3A_58 = tpu.memref_slice %arg7[%dma_start3A_56, %dma_start3A_57] : memref<2x16384xf32, #tpu.memory_space<vmem>> -> memref<1x16384xf32, #tpu.memory_space<vmem>>
    %dma_start3A_59 = tpu.memref_squeeze %dma_start3A_58 : memref<1x16384xf32, #tpu.memory_space<vmem>> -> memref<16384xf32, #tpu.memory_space<vmem>>
    %dma_start3A_60 = tpu.memref_slice %arg3[%add3A, %add3A_45] : memref<16x262144xf32, #tpu.memory_space<hbm>> -> memref<1x16384xf32, #tpu.memory_space<hbm>>
    %dma_start3A_61 = tpu.memref_squeeze %dma_start3A_60 : memref<1x16384xf32, #tpu.memory_space<hbm>> -> memref<16384xf32, #tpu.memory_space<hbm>>
    %dma_start3A_62 = arith.constant 0 : i32
    %dma_start3A_63 = tpu.memref_slice %arg7[%dma_start3A_56, %dma_start3A_62] : memref<2x16384xf32, #tpu.memory_space<vmem>> -> memref<1x16384xf32, #tpu.memory_space<vmem>>
    %dma_start3A_64 = tpu.memref_squeeze %dma_start3A_63 : memref<1x16384xf32, #tpu.memory_space<vmem>> -> memref<16384xf32, #tpu.memory_space<vmem>>
    %dma_start3A_65 = tpu.memref_slice %arg3[%add3A, %add3A_45] : memref<16x262144xf32, #tpu.memory_space<hbm>> -> memref<1x16384xf32, #tpu.memory_space<hbm>>
    %dma_start3A_66 = tpu.memref_squeeze %dma_start3A_65 : memref<1x16384xf32, #tpu.memory_space<hbm>> -> memref<16384xf32, #tpu.memory_space<hbm>>
    tpu.enqueue_dma source(%dma_start3A_66 : memref<16384xf32, #tpu.memory_space<hbm>>) target(%dma_start3A_64 : memref<16384xf32, #tpu.memory_space<vmem>>) target_semaphore(%arg18 : memref<!tpu.dma_semaphore, #tpu.memory_space<semaphore_mem>>)
    %parallel_loop3A = arith.constant 0 : i32
    %parallel_loop3A_67 = arith.constant 8192 : i32
    %parallel_loop3A_68 = arith.constant 16 : i32
    scf.for %parallel_loop3A_84 = %parallel_loop3A to %parallel_loop3A_67 step %parallel_loop3A_68  : i32 {
      %parallel_loop3A_85 = arith.index_cast %parallel_loop3A_84 : i32 to index
      %parallel_loop3A_86 = tpu.vector_load %arg5[%parallel_loop3A_85] {strides = array<i32>} : memref<8192xi32, #tpu.memory_space<vmem>>, vector<16xi32>,
      tpu.vector_store %arg5[%parallel_loop3A_85], %broadcast_in_dim3A_39 {strides = array<i32>} : memref<8192xi32, #tpu.memory_space<vmem>>, vector<16xi32>,
    } {sc.loop_unroll_factor = 8 : i64, sc.parallel_access}
    %scan3A = arith.constant 5.110000e+02 : f32
    %scan3A_69 = arith.constant 0 : i32
    %scan3A_70 = arith.constant 0 : i32
    %scan3A_71 = arith.constant 4 : i32
    %scan3A_72 = arith.addi %scan3A_70, %scan3A_71 : i32
    %scan3A_73 = arith.constant 1 : i32
    %scan3A_74 = scf.for %scan3A_84 = %scan3A_70 to %scan3A_72 step %scan3A_73 iter_args(%scan3A_85 = %scan3A_69) -> (i32)  : i32 {
      %mul3A_86 = arith.constant 2 : i32
      %mul3A_87 = arith.muli %mul3A_86, %scan3A_84 : i32
      %add3A_88 = arith.constant 1 : i32
      %add3A_89 = arith.addi %mul3A_87, %add3A_88 : i32
      %mul3A_90 = arith.constant 16384 : i32
      %mul3A_91 = arith.muli %add3A_89, %mul3A_90 : i32
      %add3A_92 = arith.addi %mul3A_32, %mul3A_91 : i32
      %dma_start3A_93 = arith.constant 1 : i32
      %dma_start3A_94 = arith.constant 0 : i32
      %dma_start3A_95 = tpu.memref_slice %arg6[%dma_start3A_93, %dma_start3A_94] : memref<2x16384xf32, #tpu.memory_space<vmem>> -> memref<1x16384xf32, #tpu.memory_space<vmem>>
      %dma_start3A_96 = tpu.memref_squeeze %dma_start3A_95 : memref<1x16384xf32, #tpu.memory_space<vmem>> -> memref<16384xf32, #tpu.memory_space<vmem>>
      %dma_start3A_97 = tpu.memref_slice %arg2[%add3A, %add3A_92] : memref<16x262144xf32, #tpu.memory_space<hbm>> -> memref<1x16384xf32, #tpu.memory_space<hbm>>
      %dma_start3A_98 = tpu.memref_squeeze %dma_start3A_97 : memref<1x16384xf32, #tpu.memory_space<hbm>> -> memref<16384xf32, #tpu.memory_space<hbm>>
      %dma_start3A_99 = arith.constant 0 : i32
      %dma_start3A_100 = tpu.memref_slice %arg6[%dma_start3A_93, %dma_start3A_99] : memref<2x16384xf32, #tpu.memory_space<vmem>> -> memref<1x16384xf32, #tpu.memory_space<vmem>>
      %dma_start3A_101 = tpu.memref_squeeze %dma_start3A_100 : memref<1x16384xf32, #tpu.memory_space<vmem>> -> memref<16384xf32, #tpu.memory_space<vmem>>
      %dma_start3A_102 = tpu.memref_slice %arg2[%add3A, %add3A_92] : memref<16x262144xf32, #tpu.memory_space<hbm>> -> memref<1x16384xf32, #tpu.memory_space<hbm>>
      %dma_start3A_103 = tpu.memref_squeeze %dma_start3A_102 : memref<1x16384xf32, #tpu.memory_space<hbm>> -> memref<16384xf32, #tpu.memory_space<hbm>>
      tpu.enqueue_dma source(%dma_start3A_103 : memref<16384xf32, #tpu.memory_space<hbm>>) target(%dma_start3A_101 : memref<16384xf32, #tpu.memory_space<vmem>>) target_semaphore(%arg19 : memref<!tpu.dma_semaphore, #tpu.memory_space<semaphore_mem>>)
      %dma_start3A_104 = arith.constant 1 : i32
      %dma_start3A_105 = arith.constant 0 : i32
      %dma_start3A_106 = tpu.memref_slice %arg7[%dma_start3A_104, %dma_start3A_105] : memref<2x16384xf32, #tpu.memory_space<vmem>> -> memref<1x16384xf32, #tpu.memory_space<vmem>>
      %dma_start3A_107 = tpu.memref_squeeze %dma_start3A_106 : memref<1x16384xf32, #tpu.memory_space<vmem>> -> memref<16384xf32, #tpu.memory_space<vmem>>
      %dma_start3A_108 = tpu.memref_slice %arg3[%add3A, %add3A_92] : memref<16x262144xf32, #tpu.memory_space<hbm>> -> memref<1x16384xf32, #tpu.memory_space<hbm>>
      %dma_start3A_109 = tpu.memref_squeeze %dma_start3A_108 : memref<1x16384xf32, #tpu.memory_space<hbm>> -> memref<16384xf32, #tpu.memory_space<hbm>>
      %dma_start3A_110 = arith.constant 0 : i32
      %dma_start3A_111 = tpu.memref_slice %arg7[%dma_start3A_104, %dma_start3A_110] : memref<2x16384xf32, #tpu.memory_space<vmem>> -> memref<1x16384xf32, #tpu.memory_space<vmem>>
      %dma_start3A_112 = tpu.memref_squeeze %dma_start3A_111 : memref<1x16384xf32, #tpu.memory_space<vmem>> -> memref<16384xf32, #tpu.memory_space<vmem>>
      %dma_start3A_113 = tpu.memref_slice %arg3[%add3A, %add3A_92] : memref<16x262144xf32, #tpu.memory_space<hbm>> -> memref<1x16384xf32, #tpu.memory_space<hbm>>
      %dma_start3A_114 = tpu.memref_squeeze %dma_start3A_113 : memref<1x16384xf32, #tpu.memory_space<hbm>> -> memref<16384xf32, #tpu.memory_space<hbm>>
      tpu.enqueue_dma source(%dma_start3A_114 : memref<16384xf32, #tpu.memory_space<hbm>>) target(%dma_start3A_112 : memref<16384xf32, #tpu.memory_space<vmem>>) target_semaphore(%arg19 : memref<!tpu.dma_semaphore, #tpu.memory_space<semaphore_mem>>)
      %dma_wait3A = arith.constant 0 : i32
      %dma_wait3A_115 = arith.constant 0 : i32
      %dma_wait3A_116 = tpu.memref_slice %arg6[%dma_wait3A, %dma_wait3A_115] : memref<2x16384xf32, #tpu.memory_space<vmem>> -> memref<1x16384xf32, #tpu.memory_space<vmem>>
      %dma_wait3A_117 = tpu.memref_squeeze %dma_wait3A_116 : memref<1x16384xf32, #tpu.memory_space<vmem>> -> memref<16384xf32, #tpu.memory_space<vmem>>
      %dma_wait3A_118 = arith.constant 0 : i32
      %dma_wait3A_119 = tpu.memref_slice %arg2[%add3A, %dma_wait3A_118] : memref<16x262144xf32, #tpu.memory_space<hbm>> -> memref<1x16384xf32, #tpu.memory_space<hbm>>
      %dma_wait3A_120 = tpu.memref_squeeze %dma_wait3A_119 : memref<1x16384xf32, #tpu.memory_space<hbm>> -> memref<16384xf32, #tpu.memory_space<hbm>>
      %dma_wait3A_121 = arith.constant 0 : i32
      %dma_wait3A_122 = tpu.memref_slice %arg6[%dma_wait3A, %dma_wait3A_121] : memref<2x16384xf32, #tpu.memory_space<vmem>> -> memref<1x16384xf32, #tpu.memory_space<vmem>>
      %dma_wait3A_123 = tpu.memref_squeeze %dma_wait3A_122 : memref<1x16384xf32, #tpu.memory_space<vmem>> -> memref<16384xf32, #tpu.memory_space<vmem>>
      %dma_wait3A_124 = arith.constant 0 : i32
      %dma_wait3A_125 = tpu.memref_slice %arg2[%add3A, %dma_wait3A_124] : memref<16x262144xf32, #tpu.memory_space<hbm>> -> memref<1x16384xf32, #tpu.memory_space<hbm>>
      %dma_wait3A_126 = tpu.memref_squeeze %dma_wait3A_125 : memref<1x16384xf32, #tpu.memory_space<hbm>> -> memref<16384xf32, #tpu.memory_space<hbm>>
      tpu.wait_dma2 semaphore(%arg18 : memref<!tpu.dma_semaphore, #tpu.memory_space<semaphore_mem>>) src(%dma_wait3A_126 : memref<16384xf32, #tpu.memory_space<hbm>>) dst(%dma_wait3A_123 : memref<16384xf32, #tpu.memory_space<vmem>>)
      %dma_wait3A_127 = arith.constant 0 : i32
      %dma_wait3A_128 = arith.constant 0 : i32
      %dma_wait3A_129 = tpu.memref_slice %arg7[%dma_wait3A_127, %dma_wait3A_128] : memref<2x16384xf32, #tpu.memory_space<vmem>> -> memref<1x16384xf32, #tpu.memory_space<vmem>>
      %dma_wait3A_130 = tpu.memref_squeeze %dma_wait3A_129 : memref<1x16384xf32, #tpu.memory_space<vmem>> -> memref<16384xf32, #tpu.memory_space<vmem>>
      %dma_wait3A_131 = arith.constant 0 : i32
      %dma_wait3A_132 = tpu.memref_slice %arg3[%add3A, %dma_wait3A_131] : memref<16x262144xf32, #tpu.memory_space<hbm>> -> memref<1x16384xf32, #tpu.memory_space<hbm>>
      %dma_wait3A_133 = tpu.memref_squeeze %dma_wait3A_132 : memref<1x16384xf32, #tpu.memory_space<hbm>> -> memref<16384xf32, #tpu.memory_space<hbm>>
      %dma_wait3A_134 = arith.constant 0 : i32
      %dma_wait3A_135 = tpu.memref_slice %arg7[%dma_wait3A_127, %dma_wait3A_134] : memref<2x16384xf32, #tpu.memory_space<vmem>> -> memref<1x16384xf32, #tpu.memory_space<vmem>>
      %dma_wait3A_136 = tpu.memref_squeeze %dma_wait3A_135 : memref<1x16384xf32, #tpu.memory_space<vmem>> -> memref<16384xf32, #tpu.memory_space<vmem>>
      %dma_wait3A_137 = arith.constant 0 : i32
      %dma_wait3A_138 = tpu.memref_slice %arg3[%add3A, %dma_wait3A_137] : memref<16x262144xf32, #tpu.memory_space<hbm>> -> memref<1x16384xf32, #tpu.memory_space<hbm>>
      %dma_wait3A_139 = tpu.memref_squeeze %dma_wait3A_138 : memref<1x16384xf32, #tpu.memory_space<hbm>> -> memref<16384xf32, #tpu.memory_space<hbm>>
      tpu.wait_dma2 semaphore(%arg18 : memref<!tpu.dma_semaphore, #tpu.memory_space<semaphore_mem>>) src(%dma_wait3A_139 : memref<16384xf32, #tpu.memory_space<hbm>>) dst(%dma_wait3A_136 : memref<16384xf32, #tpu.memory_space<vmem>>)
      %mul3A_140 = arith.constant 2 : i32
      %mul3A_141 = arith.muli %mul3A_140, %scan3A_84 : i32
      %parallel_loop3A_142 = arith.constant 0 : i32
      %parallel_loop3A_143 = arith.constant 16384 : i32
      %parallel_loop3A_144 = arith.constant 16 : i32
      scf.for %parallel_loop3A_184 = %parallel_loop3A_142 to %parallel_loop3A_143 step %parallel_loop3A_144  : i32 {
        %parallel_loop3A_185 = arith.constant 0 : i32
        %parallel_loop3A_186 = arith.index_cast %parallel_loop3A_185 : i32 to index
        %parallel_loop3A_187 = arith.index_cast %parallel_loop3A_184 : i32 to index
        %parallel_loop3A_188 = tpu.vector_load %arg6[%parallel_loop3A_186, %parallel_loop3A_187] {strides = array<i32>} : memref<2x16384xf32, #tpu.memory_space<vmem>>, vector<16xf32>,
        %parallel_loop3A_189 = arith.constant 0 : i32
        %parallel_loop3A_190 = arith.index_cast %parallel_loop3A_189 : i32 to index
        %parallel_loop3A_191 = arith.index_cast %parallel_loop3A_184 : i32 to index
        %parallel_loop3A_192 = tpu.vector_load %arg7[%parallel_loop3A_190, %parallel_loop3A_191] {strides = array<i32>} : memref<2x16384xf32, #tpu.memory_space<vmem>>, vector<16xf32>,
        %parallel_loop3A_193 = arith.subf %parallel_loop3A_188, %parallel_loop3A_192 : vector<16xf32>
        %parallel_loop3A_194 = math.absf %parallel_loop3A_193 : vector<16xf32>
        %parallel_loop3A_195 = vector.broadcast %scan3A : f32 to vector<16xf32>
        %parallel_loop3A_196 = arith.mulf %parallel_loop3A_194, %parallel_loop3A_195 : vector<16xf32>
        %parallel_loop3A_197 = arith.addf %parallel_loop3A_196, %add3A_38 : vector<16xf32>
        %parallel_loop3A_198 = tpu.bitcast %parallel_loop3A_197 : vector<16xf32> -> vector<16xi32>
        %parallel_loop3A_199 = arith.constant 8388607 : i32
        %parallel_loop3A_200 = vector.broadcast %parallel_loop3A_199 : i32 to vector<16xi32>
        %parallel_loop3A_201 = arith.andi %parallel_loop3A_198, %parallel_loop3A_200 : vector<16xi32>
        %parallel_loop3A_202 = arith.constant 0.000000e+00 : f32
        %parallel_loop3A_203 = vector.broadcast %parallel_loop3A_202 : f32 to vector<16xf32>
        %parallel_loop3A_204 = arith.cmpf olt, %parallel_loop3A_193, %parallel_loop3A_203 : vector<16xf32>
        %parallel_loop3A_205 = arith.select %parallel_loop3A_204, %broadcast_in_dim3A_41, %broadcast_in_dim3A_43 : vector<16xi1>, vector<16xi32>
        tpu.vector_store_idx %arg5[%parallel_loop3A_201], %parallel_loop3A_205 {add = true} : memref<8192xi32, #tpu.memory_space<vmem>>[vector<16xi32>], vector<16xi32>,
      } {sc.loop_unroll_factor = 8 : i64, sc.parallel_access}
      %lt3A_145 = arith.constant 3 : i32
      %lt3A_146 = arith.cmpi slt, %scan3A_84, %lt3A_145 : i32
      %convert_element_type3A_147 = arith.extui %lt3A_146 : i1 to i32
      %cond3A_148 = arith.constant 0 : i32
      %cond3A_149 = arith.cmpi ne, %convert_element_type3A_147, %cond3A_148 : i32
      scf.if %cond3A_149 {
        %mul3A_184 = arith.constant 2 : i32
        %mul3A_185 = arith.muli %mul3A_184, %scan3A_84 : i32
        %add3A_186 = arith.constant 2 : i32
        %add3A_187 = arith.addi %mul3A_185, %add3A_186 : i32
        %mul3A_188 = arith.constant 16384 : i32
        %mul3A_189 = arith.muli %add3A_187, %mul3A_188 : i32
        %add3A_190 = arith.addi %mul3A_32, %mul3A_189 : i32
        %dma_start3A_191 = arith.constant 0 : i32
        %dma_start3A_192 = arith.constant 0 : i32
        %dma_start3A_193 = tpu.memref_slice %arg6[%dma_start3A_191, %dma_start3A_192] : memref<2x16384xf32, #tpu.memory_space<vmem>> -> memref<1x16384xf32, #tpu.memory_space<vmem>>
        %dma_start3A_194 = tpu.memref_squeeze %dma_start3A_193 : memref<1x16384xf32, #tpu.memory_space<vmem>> -> memref<16384xf32, #tpu.memory_space<vmem>>
        %dma_start3A_195 = tpu.memref_slice %arg2[%add3A, %add3A_190] : memref<16x262144xf32, #tpu.memory_space<hbm>> -> memref<1x16384xf32, #tpu.memory_space<hbm>>
        %dma_start3A_196 = tpu.memref_squeeze %dma_start3A_195 : memref<1x16384xf32, #tpu.memory_space<hbm>> -> memref<16384xf32, #tpu.memory_space<hbm>>
        %dma_start3A_197 = arith.constant 0 : i32
        %dma_start3A_198 = tpu.memref_slice %arg6[%dma_start3A_191, %dma_start3A_197] : memref<2x16384xf32, #tpu.memory_space<vmem>> -> memref<1x16384xf32, #tpu.memory_space<vmem>>
        %dma_start3A_199 = tpu.memref_squeeze %dma_start3A_198 : memref<1x16384xf32, #tpu.memory_space<vmem>> -> memref<16384xf32, #tpu.memory_space<vmem>>
        %dma_start3A_200 = tpu.memref_slice %arg2[%add3A, %add3A_190] : memref<16x262144xf32, #tpu.memory_space<hbm>> -> memref<1x16384xf32, #tpu.memory_space<hbm>>
        %dma_start3A_201 = tpu.memref_squeeze %dma_start3A_200 : memref<1x16384xf32, #tpu.memory_space<hbm>> -> memref<16384xf32, #tpu.memory_space<hbm>>
        tpu.enqueue_dma source(%dma_start3A_201 : memref<16384xf32, #tpu.memory_space<hbm>>) target(%dma_start3A_199 : memref<16384xf32, #tpu.memory_space<vmem>>) target_semaphore(%arg18 : memref<!tpu.dma_semaphore, #tpu.memory_space<semaphore_mem>>)
        %dma_start3A_202 = arith.constant 0 : i32
        %dma_start3A_203 = arith.constant 0 : i32
        %dma_start3A_204 = tpu.memref_slice %arg7[%dma_start3A_202, %dma_start3A_203] : memref<2x16384xf32, #tpu.memory_space<vmem>> -> memref<1x16384xf32, #tpu.memory_space<vmem>>
        %dma_start3A_205 = tpu.memref_squeeze %dma_start3A_204 : memref<1x16384xf32, #tpu.memory_space<vmem>> -> memref<16384xf32, #tpu.memory_space<vmem>>
        %dma_start3A_206 = tpu.memref_slice %arg3[%add3A, %add3A_190] : memref<16x262144xf32, #tpu.memory_space<hbm>> -> memref<1x16384xf32, #tpu.memory_space<hbm>>
        %dma_start3A_207 = tpu.memref_squeeze %dma_start3A_206 : memref<1x16384xf32, #tpu.memory_space<hbm>> -> memref<16384xf32, #tpu.memory_space<hbm>>
        %dma_start3A_208 = arith.constant 0 : i32
        %dma_start3A_209 = tpu.memref_slice %arg7[%dma_start3A_202, %dma_start3A_208] : memref<2x16384xf32, #tpu.memory_space<vmem>> -> memref<1x16384xf32, #tpu.memory_space<vmem>>
        %dma_start3A_210 = tpu.memref_squeeze %dma_start3A_209 : memref<1x16384xf32, #tpu.memory_space<vmem>> -> memref<16384xf32, #tpu.memory_space<vmem>>
        %dma_start3A_211 = tpu.memref_slice %arg3[%add3A, %add3A_190] : memref<16x262144xf32, #tpu.memory_space<hbm>> -> memref<1x16384xf32, #tpu.memory_space<hbm>>
        %dma_start3A_212 = tpu.memref_squeeze %dma_start3A_211 : memref<1x16384xf32, #tpu.memory_space<hbm>> -> memref<16384xf32, #tpu.memory_space<hbm>>
        tpu.enqueue_dma source(%dma_start3A_212 : memref<16384xf32, #tpu.memory_space<hbm>>) target(%dma_start3A_210 : memref<16384xf32, #tpu.memory_space<vmem>>) target_semaphore(%arg18 : memref<!tpu.dma_semaphore, #tpu.memory_space<semaphore_mem>>)
      } else {
      }
      %dma_wait3A_150 = arith.constant 1 : i32
      %dma_wait3A_151 = arith.constant 0 : i32
      %dma_wait3A_152 = tpu.memref_slice %arg6[%dma_wait3A_150, %dma_wait3A_151] : memref<2x16384xf32, #tpu.memory_space<vmem>> -> memref<1x16384xf32, #tpu.memory_space<vmem>>
      %dma_wait3A_153 = tpu.memref_squeeze %dma_wait3A_152 : memref<1x16384xf32, #tpu.memory_space<vmem>> -> memref<16384xf32, #tpu.memory_space<vmem>>
      %dma_wait3A_154 = arith.constant 0 : i32
      %dma_wait3A_155 = tpu.memref_slice %arg2[%add3A, %dma_wait3A_154] : memref<16x262144xf32, #tpu.memory_space<hbm>> -> memref<1x16384xf32, #tpu.memory_space<hbm>>
      %dma_wait3A_156 = tpu.memref_squeeze %dma_wait3A_155 : memref<1x16384xf32, #tpu.memory_space<hbm>> -> memref<16384xf32, #tpu.memory_space<hbm>>
      %dma_wait3A_157 = arith.constant 0 : i32
      %dma_wait3A_158 = tpu.memref_slice %arg6[%dma_wait3A_150, %dma_wait3A_157] : memref<2x16384xf32, #tpu.memory_space<vmem>> -> memref<1x16384xf32, #tpu.memory_space<vmem>>
      %dma_wait3A_159 = tpu.memref_squeeze %dma_wait3A_158 : memref<1x16384xf32, #tpu.memory_space<vmem>> -> memref<16384xf32, #tpu.memory_space<vmem>>
      %dma_wait3A_160 = arith.constant 0 : i32
      %dma_wait3A_161 = tpu.memref_slice %arg2[%add3A, %dma_wait3A_160] : memref<16x262144xf32, #tpu.memory_space<hbm>> -> memref<1x16384xf32, #tpu.memory_space<hbm>>
      %dma_wait3A_162 = tpu.memref_squeeze %dma_wait3A_161 : memref<1x16384xf32, #tpu.memory_space<hbm>> -> memref<16384xf32, #tpu.memory_space<hbm>>
      tpu.wait_dma2 semaphore(%arg19 : memref<!tpu.dma_semaphore, #tpu.memory_space<semaphore_mem>>) src(%dma_wait3A_162 : memref<16384xf32, #tpu.memory_space<hbm>>) dst(%dma_wait3A_159 : memref<16384xf32, #tpu.memory_space<vmem>>)
      %dma_wait3A_163 = arith.constant 1 : i32
      %dma_wait3A_164 = arith.constant 0 : i32
      %dma_wait3A_165 = tpu.memref_slice %arg7[%dma_wait3A_163, %dma_wait3A_164] : memref<2x16384xf32, #tpu.memory_space<vmem>> -> memref<1x16384xf32, #tpu.memory_space<vmem>>
      %dma_wait3A_166 = tpu.memref_squeeze %dma_wait3A_165 : memref<1x16384xf32, #tpu.memory_space<vmem>> -> memref<16384xf32, #tpu.memory_space<vmem>>
      %dma_wait3A_167 = arith.constant 0 : i32
      %dma_wait3A_168 = tpu.memref_slice %arg3[%add3A, %dma_wait3A_167] : memref<16x262144xf32, #tpu.memory_space<hbm>> -> memref<1x16384xf32, #tpu.memory_space<hbm>>
      %dma_wait3A_169 = tpu.memref_squeeze %dma_wait3A_168 : memref<1x16384xf32, #tpu.memory_space<hbm>> -> memref<16384xf32, #tpu.memory_space<hbm>>
      %dma_wait3A_170 = arith.constant 0 : i32
      %dma_wait3A_171 = tpu.memref_slice %arg7[%dma_wait3A_163, %dma_wait3A_170] : memref<2x16384xf32, #tpu.memory_space<vmem>> -> memref<1x16384xf32, #tpu.memory_space<vmem>>
      %dma_wait3A_172 = tpu.memref_squeeze %dma_wait3A_171 : memref<1x16384xf32, #tpu.memory_space<vmem>> -> memref<16384xf32, #tpu.memory_space<vmem>>
      %dma_wait3A_173 = arith.constant 0 : i32
      %dma_wait3A_174 = tpu.memref_slice %arg3[%add3A, %dma_wait3A_173] : memref<16x262144xf32, #tpu.memory_space<hbm>> -> memref<1x16384xf32, #tpu.memory_space<hbm>>
      %dma_wait3A_175 = tpu.memref_squeeze %dma_wait3A_174 : memref<1x16384xf32, #tpu.memory_space<hbm>> -> memref<16384xf32, #tpu.memory_space<hbm>>
      tpu.wait_dma2 semaphore(%arg19 : memref<!tpu.dma_semaphore, #tpu.memory_space<semaphore_mem>>) src(%dma_wait3A_175 : memref<16384xf32, #tpu.memory_space<hbm>>) dst(%dma_wait3A_172 : memref<16384xf32, #tpu.memory_space<vmem>>)
      %mul3A_176 = arith.constant 2 : i32
      %mul3A_177 = arith.muli %mul3A_176, %scan3A_84 : i32
      %add3A_178 = arith.constant 1 : i32
      %add3A_179 = arith.addi %mul3A_177, %add3A_178 : i32
      %parallel_loop3A_180 = arith.constant 0 : i32
      %parallel_loop3A_181 = arith.constant 16384 : i32
      %parallel_loop3A_182 = arith.constant 16 : i32
      scf.for %parallel_loop3A_184 = %parallel_loop3A_180 to %parallel_loop3A_181 step %parallel_loop3A_182  : i32 {
        %parallel_loop3A_185 = arith.constant 1 : i32
        %parallel_loop3A_186 = arith.index_cast %parallel_loop3A_185 : i32 to index
        %parallel_loop3A_187 = arith.index_cast %parallel_loop3A_184 : i32 to index
        %parallel_loop3A_188 = tpu.vector_load %arg6[%parallel_loop3A_186, %parallel_loop3A_187] {strides = array<i32>} : memref<2x16384xf32, #tpu.memory_space<vmem>>, vector<16xf32>,
        %parallel_loop3A_189 = arith.constant 1 : i32
        %parallel_loop3A_190 = arith.index_cast %parallel_loop3A_189 : i32 to index
        %parallel_loop3A_191 = arith.index_cast %parallel_loop3A_184 : i32 to index
        %parallel_loop3A_192 = tpu.vector_load %arg7[%parallel_loop3A_190, %parallel_loop3A_191] {strides = array<i32>} : memref<2x16384xf32, #tpu.memory_space<vmem>>, vector<16xf32>,
        %parallel_loop3A_193 = arith.subf %parallel_loop3A_188, %parallel_loop3A_192 : vector<16xf32>
        %parallel_loop3A_194 = math.absf %parallel_loop3A_193 : vector<16xf32>
        %parallel_loop3A_195 = vector.broadcast %scan3A : f32 to vector<16xf32>
        %parallel_loop3A_196 = arith.mulf %parallel_loop3A_194, %parallel_loop3A_195 : vector<16xf32>
        %parallel_loop3A_197 = arith.addf %parallel_loop3A_196, %add3A_38 : vector<16xf32>
        %parallel_loop3A_198 = tpu.bitcast %parallel_loop3A_197 : vector<16xf32> -> vector<16xi32>
        %parallel_loop3A_199 = arith.constant 8388607 : i32
        %parallel_loop3A_200 = vector.broadcast %parallel_loop3A_199 : i32 to vector<16xi32>
        %parallel_loop3A_201 = arith.andi %parallel_loop3A_198, %parallel_loop3A_200 : vector<16xi32>
        %parallel_loop3A_202 = arith.constant 0.000000e+00 : f32
        %parallel_loop3A_203 = vector.broadcast %parallel_loop3A_202 : f32 to vector<16xf32>
        %parallel_loop3A_204 = arith.cmpf olt, %parallel_loop3A_193, %parallel_loop3A_203 : vector<16xf32>
        %parallel_loop3A_205 = arith.select %parallel_loop3A_204, %broadcast_in_dim3A_41, %broadcast_in_dim3A_43 : vector<16xi1>, vector<16xi32>
        tpu.vector_store_idx %arg5[%parallel_loop3A_201], %parallel_loop3A_205 {add = true} : memref<8192xi32, #tpu.memory_space<vmem>>[vector<16xi32>], vector<16xi32>,
      } {sc.loop_unroll_factor = 8 : i64, sc.parallel_access}
      %scan3A_183 = arith.constant 0 : i32
      scf.yield %scan3A_183 : i32
    }
    %scan3A_75 = arith.constant 4 : i32
    %parallel_loop3A_76 = arith.constant 0 : i32
    %parallel_loop3A_77 = arith.constant 512 : i32
    %parallel_loop3A_78 = arith.constant 16 : i32
    scf.for %parallel_loop3A_84 = %parallel_loop3A_76 to %parallel_loop3A_77 step %parallel_loop3A_78  : i32 {
      %parallel_loop3A_85 = arith.constant 0 : i32
      %parallel_loop3A_86 = vector.broadcast %parallel_loop3A_85 : i32 to vector<16xi32>
      %parallel_loop3A_87 = arith.constant 0 : i32
      %parallel_loop3A_88 = vector.broadcast %parallel_loop3A_87 : i32 to vector<16xi32>
      %parallel_loop3A_89 = arith.constant 0 : i32
      %parallel_loop3A_90 = arith.addi %parallel_loop3A_84, %parallel_loop3A_89 : i32
      %parallel_loop3A_91 = arith.index_cast %parallel_loop3A_90 : i32 to index
      %parallel_loop3A_92 = tpu.vector_load %arg5[%parallel_loop3A_91] {strides = array<i32>} : memref<8192xi32, #tpu.memory_space<vmem>>, vector<16xi32>,
      %parallel_loop3A_93 = arith.constant 16383 : i32
      %parallel_loop3A_94 = vector.broadcast %parallel_loop3A_93 : i32 to vector<16xi32>
      %parallel_loop3A_95 = arith.andi %parallel_loop3A_92, %parallel_loop3A_94 : vector<16xi32>
      %parallel_loop3A_96 = arith.addi %parallel_loop3A_86, %parallel_loop3A_95 : vector<16xi32>
      %parallel_loop3A_97 = arith.constant 14 : i32
      %parallel_loop3A_98 = vector.broadcast %parallel_loop3A_97 : i32 to vector<16xi32>
      %parallel_loop3A_99 = arith.shrsi %parallel_loop3A_92, %parallel_loop3A_98 : vector<16xi32>
      %parallel_loop3A_100 = arith.addi %parallel_loop3A_88, %parallel_loop3A_99 : vector<16xi32>
      %parallel_loop3A_101 = arith.constant 512 : i32
      %parallel_loop3A_102 = arith.addi %parallel_loop3A_84, %parallel_loop3A_101 : i32
      %parallel_loop3A_103 = arith.index_cast %parallel_loop3A_102 : i32 to index
      %parallel_loop3A_104 = tpu.vector_load %arg5[%parallel_loop3A_103] {strides = array<i32>} : memref<8192xi32, #tpu.memory_space<vmem>>, vector<16xi32>,
      %parallel_loop3A_105 = arith.constant 16383 : i32
      %parallel_loop3A_106 = vector.broadcast %parallel_loop3A_105 : i32 to vector<16xi32>
      %parallel_loop3A_107 = arith.andi %parallel_loop3A_104, %parallel_loop3A_106 : vector<16xi32>
      %parallel_loop3A_108 = arith.addi %parallel_loop3A_96, %parallel_loop3A_107 : vector<16xi32>
      %parallel_loop3A_109 = arith.constant 14 : i32
      %parallel_loop3A_110 = vector.broadcast %parallel_loop3A_109 : i32 to vector<16xi32>
      %parallel_loop3A_111 = arith.shrsi %parallel_loop3A_104, %parallel_loop3A_110 : vector<16xi32>
      %parallel_loop3A_112 = arith.addi %parallel_loop3A_100, %parallel_loop3A_111 : vector<16xi32>
      %parallel_loop3A_113 = arith.constant 1024 : i32
      %parallel_loop3A_114 = arith.addi %parallel_loop3A_84, %parallel_loop3A_113 : i32
      %parallel_loop3A_115 = arith.index_cast %parallel_loop3A_114 : i32 to index
      %parallel_loop3A_116 = tpu.vector_load %arg5[%parallel_loop3A_115] {strides = array<i32>} : memref<8192xi32, #tpu.memory_space<vmem>>, vector<16xi32>,
      %parallel_loop3A_117 = arith.constant 16383 : i32
      %parallel_loop3A_118 = vector.broadcast %parallel_loop3A_117 : i32 to vector<16xi32>
      %parallel_loop3A_119 = arith.andi %parallel_loop3A_116, %parallel_loop3A_118 : vector<16xi32>
      %parallel_loop3A_120 = arith.addi %parallel_loop3A_108, %parallel_loop3A_119 : vector<16xi32>
      %parallel_loop3A_121 = arith.constant 14 : i32
      %parallel_loop3A_122 = vector.broadcast %parallel_loop3A_121 : i32 to vector<16xi32>
      %parallel_loop3A_123 = arith.shrsi %parallel_loop3A_116, %parallel_loop3A_122 : vector<16xi32>
      %parallel_loop3A_124 = arith.addi %parallel_loop3A_112, %parallel_loop3A_123 : vector<16xi32>
      %parallel_loop3A_125 = arith.constant 1536 : i32
      %parallel_loop3A_126 = arith.addi %parallel_loop3A_84, %parallel_loop3A_125 : i32
      %parallel_loop3A_127 = arith.index_cast %parallel_loop3A_126 : i32 to index
      %parallel_loop3A_128 = tpu.vector_load %arg5[%parallel_loop3A_127] {strides = array<i32>} : memref<8192xi32, #tpu.memory_space<vmem>>, vector<16xi32>,
      %parallel_loop3A_129 = arith.constant 16383 : i32
      %parallel_loop3A_130 = vector.broadcast %parallel_loop3A_129 : i32 to vector<16xi32>
      %parallel_loop3A_131 = arith.andi %parallel_loop3A_128, %parallel_loop3A_130 : vector<16xi32>
      %parallel_loop3A_132 = arith.addi %parallel_loop3A_120, %parallel_loop3A_131 : vector<16xi32>
      %parallel_loop3A_133 = arith.constant 14 : i32
      %parallel_loop3A_134 = vector.broadcast %parallel_loop3A_133 : i32 to vector<16xi32>
      %parallel_loop3A_135 = arith.shrsi %parallel_loop3A_128, %parallel_loop3A_134 : vector<16xi32>
      %parallel_loop3A_136 = arith.addi %parallel_loop3A_124, %parallel_loop3A_135 : vector<16xi32>
      %parallel_loop3A_137 = arith.constant 2048 : i32
      %parallel_loop3A_138 = arith.addi %parallel_loop3A_84, %parallel_loop3A_137 : i32
      %parallel_loop3A_139 = arith.index_cast %parallel_loop3A_138 : i32 to index
      %parallel_loop3A_140 = tpu.vector_load %arg5[%parallel_loop3A_139] {strides = array<i32>} : memref<8192xi32, #tpu.memory_space<vmem>>, vector<16xi32>,
      %parallel_loop3A_141 = arith.constant 16383 : i32
      %parallel_loop3A_142 = vector.broadcast %parallel_loop3A_141 : i32 to vector<16xi32>
      %parallel_loop3A_143 = arith.andi %parallel_loop3A_140, %parallel_loop3A_142 : vector<16xi32>
      %parallel_loop3A_144 = arith.addi %parallel_loop3A_132, %parallel_loop3A_143 : vector<16xi32>
      %parallel_loop3A_145 = arith.constant 14 : i32
      %parallel_loop3A_146 = vector.broadcast %parallel_loop3A_145 : i32 to vector<16xi32>
      %parallel_loop3A_147 = arith.shrsi %parallel_loop3A_140, %parallel_loop3A_146 : vector<16xi32>
      %parallel_loop3A_148 = arith.addi %parallel_loop3A_136, %parallel_loop3A_147 : vector<16xi32>
      %parallel_loop3A_149 = arith.constant 2560 : i32
      %parallel_loop3A_150 = arith.addi %parallel_loop3A_84, %parallel_loop3A_149 : i32
      %parallel_loop3A_151 = arith.index_cast %parallel_loop3A_150 : i32 to index
      %parallel_loop3A_152 = tpu.vector_load %arg5[%parallel_loop3A_151] {strides = array<i32>} : memref<8192xi32, #tpu.memory_space<vmem>>, vector<16xi32>,
      %parallel_loop3A_153 = arith.constant 16383 : i32
      %parallel_loop3A_154 = vector.broadcast %parallel_loop3A_153 : i32 to vector<16xi32>
      %parallel_loop3A_155 = arith.andi %parallel_loop3A_152, %parallel_loop3A_154 : vector<16xi32>
      %parallel_loop3A_156 = arith.addi %parallel_loop3A_144, %parallel_loop3A_155 : vector<16xi32>
      %parallel_loop3A_157 = arith.constant 14 : i32
      %parallel_loop3A_158 = vector.broadcast %parallel_loop3A_157 : i32 to vector<16xi32>
      %parallel_loop3A_159 = arith.shrsi %parallel_loop3A_152, %parallel_loop3A_158 : vector<16xi32>
      %parallel_loop3A_160 = arith.addi %parallel_loop3A_148, %parallel_loop3A_159 : vector<16xi32>
      %parallel_loop3A_161 = arith.constant 3072 : i32
      %parallel_loop3A_162 = arith.addi %parallel_loop3A_84, %parallel_loop3A_161 : i32
      %parallel_loop3A_163 = arith.index_cast %parallel_loop3A_162 : i32 to index
      %parallel_loop3A_164 = tpu.vector_load %arg5[%parallel_loop3A_163] {strides = array<i32>} : memref<8192xi32, #tpu.memory_space<vmem>>, vector<16xi32>,
      %parallel_loop3A_165 = arith.constant 16383 : i32
      %parallel_loop3A_166 = vector.broadcast %parallel_loop3A_165 : i32 to vector<16xi32>
      %parallel_loop3A_167 = arith.andi %parallel_loop3A_164, %parallel_loop3A_166 : vector<16xi32>
      %parallel_loop3A_168 = arith.addi %parallel_loop3A_156, %parallel_loop3A_167 : vector<16xi32>
      %parallel_loop3A_169 = arith.constant 14 : i32
      %parallel_loop3A_170 = vector.broadcast %parallel_loop3A_169 : i32 to vector<16xi32>
      %parallel_loop3A_171 = arith.shrsi %parallel_loop3A_164, %parallel_loop3A_170 : vector<16xi32>
      %parallel_loop3A_172 = arith.addi %parallel_loop3A_160, %parallel_loop3A_171 : vector<16xi32>
      %parallel_loop3A_173 = arith.constant 3584 : i32
      %parallel_loop3A_174 = arith.addi %parallel_loop3A_84, %parallel_loop3A_173 : i32
      %parallel_loop3A_175 = arith.index_cast %parallel_loop3A_174 : i32 to index
      %parallel_loop3A_176 = tpu.vector_load %arg5[%parallel_loop3A_175] {strides = array<i32>} : memref<8192xi32, #tpu.memory_space<vmem>>, vector<16xi32>,
      %parallel_loop3A_177 = arith.constant 16383 : i32
      %parallel_loop3A_178 = vector.broadcast %parallel_loop3A_177 : i32 to vector<16xi32>
      %parallel_loop3A_179 = arith.andi %parallel_loop3A_176, %parallel_loop3A_178 : vector<16xi32>
      %parallel_loop3A_180 = arith.addi %parallel_loop3A_168, %parallel_loop3A_179 : vector<16xi32>
      %parallel_loop3A_181 = arith.constant 14 : i32
      %parallel_loop3A_182 = vector.broadcast %parallel_loop3A_181 : i32 to vector<16xi32>
      %parallel_loop3A_183 = arith.shrsi %parallel_loop3A_176, %parallel_loop3A_182 : vector<16xi32>
      %parallel_loop3A_184 = arith.addi %parallel_loop3A_172, %parallel_loop3A_183 : vector<16xi32>
      %parallel_loop3A_185 = arith.constant 4096 : i32
      %parallel_loop3A_186 = arith.addi %parallel_loop3A_84, %parallel_loop3A_185 : i32
      %parallel_loop3A_187 = arith.index_cast %parallel_loop3A_186 : i32 to index
      %parallel_loop3A_188 = tpu.vector_load %arg5[%parallel_loop3A_187] {strides = array<i32>} : memref<8192xi32, #tpu.memory_space<vmem>>, vector<16xi32>,
      %parallel_loop3A_189 = arith.constant 16383 : i32
      %parallel_loop3A_190 = vector.broadcast %parallel_loop3A_189 : i32 to vector<16xi32>
      %parallel_loop3A_191 = arith.andi %parallel_loop3A_188, %parallel_loop3A_190 : vector<16xi32>
      %parallel_loop3A_192 = arith.addi %parallel_loop3A_180, %parallel_loop3A_191 : vector<16xi32>
      %parallel_loop3A_193 = arith.constant 14 : i32
      %parallel_loop3A_194 = vector.broadcast %parallel_loop3A_193 : i32 to vector<16xi32>
      %parallel_loop3A_195 = arith.shrsi %parallel_loop3A_188, %parallel_loop3A_194 : vector<16xi32>
      %parallel_loop3A_196 = arith.addi %parallel_loop3A_184, %parallel_loop3A_195 : vector<16xi32>
      %parallel_loop3A_197 = arith.constant 4608 : i32
      %parallel_loop3A_198 = arith.addi %parallel_loop3A_84, %parallel_loop3A_197 : i32
      %parallel_loop3A_199 = arith.index_cast %parallel_loop3A_198 : i32 to index
      %parallel_loop3A_200 = tpu.vector_load %arg5[%parallel_loop3A_199] {strides = array<i32>} : memref<8192xi32, #tpu.memory_space<vmem>>, vector<16xi32>,
      %parallel_loop3A_201 = arith.constant 16383 : i32
      %parallel_loop3A_202 = vector.broadcast %parallel_loop3A_201 : i32 to vector<16xi32>
      %parallel_loop3A_203 = arith.andi %parallel_loop3A_200, %parallel_loop3A_202 : vector<16xi32>
      %parallel_loop3A_204 = arith.addi %parallel_loop3A_192, %parallel_loop3A_203 : vector<16xi32>
      %parallel_loop3A_205 = arith.constant 14 : i32
      %parallel_loop3A_206 = vector.broadcast %parallel_loop3A_205 : i32 to vector<16xi32>
      %parallel_loop3A_207 = arith.shrsi %parallel_loop3A_200, %parallel_loop3A_206 : vector<16xi32>
      %parallel_loop3A_208 = arith.addi %parallel_loop3A_196, %parallel_loop3A_207 : vector<16xi32>
      %parallel_loop3A_209 = arith.constant 5120 : i32
      %parallel_loop3A_210 = arith.addi %parallel_loop3A_84, %parallel_loop3A_209 : i32
      %parallel_loop3A_211 = arith.index_cast %parallel_loop3A_210 : i32 to index
      %parallel_loop3A_212 = tpu.vector_load %arg5[%parallel_loop3A_211] {strides = array<i32>} : memref<8192xi32, #tpu.memory_space<vmem>>, vector<16xi32>,
      %parallel_loop3A_213 = arith.constant 16383 : i32
      %parallel_loop3A_214 = vector.broadcast %parallel_loop3A_213 : i32 to vector<16xi32>
      %parallel_loop3A_215 = arith.andi %parallel_loop3A_212, %parallel_loop3A_214 : vector<16xi32>
      %parallel_loop3A_216 = arith.addi %parallel_loop3A_204, %parallel_loop3A_215 : vector<16xi32>
      %parallel_loop3A_217 = arith.constant 14 : i32
      %parallel_loop3A_218 = vector.broadcast %parallel_loop3A_217 : i32 to vector<16xi32>
      %parallel_loop3A_219 = arith.shrsi %parallel_loop3A_212, %parallel_loop3A_218 : vector<16xi32>
      %parallel_loop3A_220 = arith.addi %parallel_loop3A_208, %parallel_loop3A_219 : vector<16xi32>
      %parallel_loop3A_221 = arith.constant 5632 : i32
      %parallel_loop3A_222 = arith.addi %parallel_loop3A_84, %parallel_loop3A_221 : i32
      %parallel_loop3A_223 = arith.index_cast %parallel_loop3A_222 : i32 to index
      %parallel_loop3A_224 = tpu.vector_load %arg5[%parallel_loop3A_223] {strides = array<i32>} : memref<8192xi32, #tpu.memory_space<vmem>>, vector<16xi32>,
      %parallel_loop3A_225 = arith.constant 16383 : i32
      %parallel_loop3A_226 = vector.broadcast %parallel_loop3A_225 : i32 to vector<16xi32>
      %parallel_loop3A_227 = arith.andi %parallel_loop3A_224, %parallel_loop3A_226 : vector<16xi32>
      %parallel_loop3A_228 = arith.addi %parallel_loop3A_216, %parallel_loop3A_227 : vector<16xi32>
      %parallel_loop3A_229 = arith.constant 14 : i32
      %parallel_loop3A_230 = vector.broadcast %parallel_loop3A_229 : i32 to vector<16xi32>
      %parallel_loop3A_231 = arith.shrsi %parallel_loop3A_224, %parallel_loop3A_230 : vector<16xi32>
      %parallel_loop3A_232 = arith.addi %parallel_loop3A_220, %parallel_loop3A_231 : vector<16xi32>
      %parallel_loop3A_233 = arith.constant 6144 : i32
      %parallel_loop3A_234 = arith.addi %parallel_loop3A_84, %parallel_loop3A_233 : i32
      %parallel_loop3A_235 = arith.index_cast %parallel_loop3A_234 : i32 to index
      %parallel_loop3A_236 = tpu.vector_load %arg5[%parallel_loop3A_235] {strides = array<i32>} : memref<8192xi32, #tpu.memory_space<vmem>>, vector<16xi32>,
      %parallel_loop3A_237 = arith.constant 16383 : i32
      %parallel_loop3A_238 = vector.broadcast %parallel_loop3A_237 : i32 to vector<16xi32>
      %parallel_loop3A_239 = arith.andi %parallel_loop3A_236, %parallel_loop3A_238 : vector<16xi32>
      %parallel_loop3A_240 = arith.addi %parallel_loop3A_228, %parallel_loop3A_239 : vector<16xi32>
      %parallel_loop3A_241 = arith.constant 14 : i32
      %parallel_loop3A_242 = vector.broadcast %parallel_loop3A_241 : i32 to vector<16xi32>
      %parallel_loop3A_243 = arith.shrsi %parallel_loop3A_236, %parallel_loop3A_242 : vector<16xi32>
      %parallel_loop3A_244 = arith.addi %parallel_loop3A_232, %parallel_loop3A_243 : vector<16xi32>
      %parallel_loop3A_245 = arith.constant 6656 : i32
      %parallel_loop3A_246 = arith.addi %parallel_loop3A_84, %parallel_loop3A_245 : i32
      %parallel_loop3A_247 = arith.index_cast %parallel_loop3A_246 : i32 to index
      %parallel_loop3A_248 = tpu.vector_load %arg5[%parallel_loop3A_247] {strides = array<i32>} : memref<8192xi32, #tpu.memory_space<vmem>>, vector<16xi32>,
      %parallel_loop3A_249 = arith.constant 16383 : i32
      %parallel_loop3A_250 = vector.broadcast %parallel_loop3A_249 : i32 to vector<16xi32>
      %parallel_loop3A_251 = arith.andi %parallel_loop3A_248, %parallel_loop3A_250 : vector<16xi32>
      %parallel_loop3A_252 = arith.addi %parallel_loop3A_240, %parallel_loop3A_251 : vector<16xi32>
      %parallel_loop3A_253 = arith.constant 14 : i32
      %parallel_loop3A_254 = vector.broadcast %parallel_loop3A_253 : i32 to vector<16xi32>
      %parallel_loop3A_255 = arith.shrsi %parallel_loop3A_248, %parallel_loop3A_254 : vector<16xi32>
      %parallel_loop3A_256 = arith.addi %parallel_loop3A_244, %parallel_loop3A_255 : vector<16xi32>
      %parallel_loop3A_257 = arith.constant 7168 : i32
      %parallel_loop3A_258 = arith.addi %parallel_loop3A_84, %parallel_loop3A_257 : i32
      %parallel_loop3A_259 = arith.index_cast %parallel_loop3A_258 : i32 to index
      %parallel_loop3A_260 = tpu.vector_load %arg5[%parallel_loop3A_259] {strides = array<i32>} : memref<8192xi32, #tpu.memory_space<vmem>>, vector<16xi32>,
      %parallel_loop3A_261 = arith.constant 16383 : i32
      %parallel_loop3A_262 = vector.broadcast %parallel_loop3A_261 : i32 to vector<16xi32>
      %parallel_loop3A_263 = arith.andi %parallel_loop3A_260, %parallel_loop3A_262 : vector<16xi32>
      %parallel_loop3A_264 = arith.addi %parallel_loop3A_252, %parallel_loop3A_263 : vector<16xi32>
      %parallel_loop3A_265 = arith.constant 14 : i32
      %parallel_loop3A_266 = vector.broadcast %parallel_loop3A_265 : i32 to vector<16xi32>
      %parallel_loop3A_267 = arith.shrsi %parallel_loop3A_260, %parallel_loop3A_266 : vector<16xi32>
      %parallel_loop3A_268 = arith.addi %parallel_loop3A_256, %parallel_loop3A_267 : vector<16xi32>
      %parallel_loop3A_269 = arith.constant 7680 : i32
      %parallel_loop3A_270 = arith.addi %parallel_loop3A_84, %parallel_loop3A_269 : i32
      %parallel_loop3A_271 = arith.index_cast %parallel_loop3A_270 : i32 to index
      %parallel_loop3A_272 = tpu.vector_load %arg5[%parallel_loop3A_271] {strides = array<i32>} : memref<8192xi32, #tpu.memory_space<vmem>>, vector<16xi32>,
      %parallel_loop3A_273 = arith.constant 16383 : i32
      %parallel_loop3A_274 = vector.broadcast %parallel_loop3A_273 : i32 to vector<16xi32>
      %parallel_loop3A_275 = arith.andi %parallel_loop3A_272, %parallel_loop3A_274 : vector<16xi32>
      %parallel_loop3A_276 = arith.addi %parallel_loop3A_264, %parallel_loop3A_275 : vector<16xi32>
      %parallel_loop3A_277 = arith.constant 14 : i32
      %parallel_loop3A_278 = vector.broadcast %parallel_loop3A_277 : i32 to vector<16xi32>
      %parallel_loop3A_279 = arith.shrsi %parallel_loop3A_272, %parallel_loop3A_278 : vector<16xi32>
      %parallel_loop3A_280 = arith.addi %parallel_loop3A_268, %parallel_loop3A_279 : vector<16xi32>
      %parallel_loop3A_281 = arith.sitofp %parallel_loop3A_276 : vector<16xi32> to vector<16xf32>
      %parallel_loop3A_282 = arith.index_cast %parallel_loop3A_84 : i32 to index
      %parallel_loop3A_283 = tpu.vector_load %arg8[%parallel_loop3A_282] {strides = array<i32>} : memref<512xf32, #tpu.memory_space<vmem>>, vector<16xf32>,
      tpu.vector_store %arg8[%parallel_loop3A_282], %parallel_loop3A_281 {strides = array<i32>} : memref<512xf32, #tpu.memory_space<vmem>>, vector<16xf32>,
      %parallel_loop3A_284 = arith.sitofp %parallel_loop3A_280 : vector<16xi32> to vector<16xf32>
      %parallel_loop3A_285 = arith.index_cast %parallel_loop3A_84 : i32 to index
      %parallel_loop3A_286 = tpu.vector_load %arg9[%parallel_loop3A_285] {strides = array<i32>} : memref<512xf32, #tpu.memory_space<vmem>>, vector<16xf32>,
      tpu.vector_store %arg9[%parallel_loop3A_285], %parallel_loop3A_284 {strides = array<i32>} : memref<512xf32, #tpu.memory_space<vmem>>, vector<16xf32>,
    } {sc.loop_unroll_factor = 2 : i64, sc.parallel_access}
    %run_scoped3A = arith.constant 0 : i32
    "tpu.region"() ({
      %run_scoped3A_84 = tpu.sem_alloc : memref<!tpu.dma_semaphore, #tpu.memory_space<semaphore_mem>>
      %dma_start3A_85 = arith.constant 0 : i32
      %dma_start3A_86 = tpu.memref_slice %arg17[%arg1, %run_scoped3A, %dma_start3A_85] : memref<16x2x512xf32, #tpu.memory_space<vmem_shared>> -> memref<1x1x512xf32, #tpu.memory_space<vmem_shared>>
      %dma_start3A_87 = tpu.memref_squeeze %dma_start3A_86 : memref<1x1x512xf32, #tpu.memory_space<vmem_shared>> -> memref<512xf32, #tpu.memory_space<vmem_shared>>
      %dma_start3A_88 = arith.constant 0 : i32
      %dma_start3A_89 = tpu.memref_slice %arg17[%arg1, %run_scoped3A, %dma_start3A_88] : memref<16x2x512xf32, #tpu.memory_space<vmem_shared>> -> memref<1x1x512xf32, #tpu.memory_space<vmem_shared>>
      %dma_start3A_90 = tpu.memref_squeeze %dma_start3A_89 : memref<1x1x512xf32, #tpu.memory_space<vmem_shared>> -> memref<512xf32, #tpu.memory_space<vmem_shared>>
      tpu.enqueue_dma source(%arg8 : memref<512xf32, #tpu.memory_space<vmem>>) target(%dma_start3A_90 : memref<512xf32, #tpu.memory_space<vmem_shared>>) target_semaphore(%run_scoped3A_84 : memref<!tpu.dma_semaphore, #tpu.memory_space<semaphore_mem>>)
      %dma_wait3A = arith.constant 0 : i32
      %dma_wait3A_91 = tpu.memref_slice %arg17[%arg1, %run_scoped3A, %dma_wait3A] : memref<16x2x512xf32, #tpu.memory_space<vmem_shared>> -> memref<1x1x512xf32, #tpu.memory_space<vmem_shared>>
      %dma_wait3A_92 = tpu.memref_squeeze %dma_wait3A_91 : memref<1x1x512xf32, #tpu.memory_space<vmem_shared>> -> memref<512xf32, #tpu.memory_space<vmem_shared>>
      %dma_wait3A_93 = arith.constant 0 : i32
      %dma_wait3A_94 = tpu.memref_slice %arg17[%arg1, %run_scoped3A, %dma_wait3A_93] : memref<16x2x512xf32, #tpu.memory_space<vmem_shared>> -> memref<1x1x512xf32, #tpu.memory_space<vmem_shared>>
      %dma_wait3A_95 = tpu.memref_squeeze %dma_wait3A_94 : memref<1x1x512xf32, #tpu.memory_space<vmem_shared>> -> memref<512xf32, #tpu.memory_space<vmem_shared>>
      tpu.wait_dma2 semaphore(%run_scoped3A_84 : memref<!tpu.dma_semaphore, #tpu.memory_space<semaphore_mem>>) src(%arg8 : memref<512xf32, #tpu.memory_space<vmem>>) dst(%dma_wait3A_95 : memref<512xf32, #tpu.memory_space<vmem_shared>>)
      tpu.yield
    }) : () -> ()
    %run_scoped3A_79 = arith.constant 1 : i32
    "tpu.region"() ({
      %run_scoped3A_84 = tpu.sem_alloc : memref<!tpu.dma_semaphore, #tpu.memory_space<semaphore_mem>>
      %dma_start3A_85 = arith.constant 0 : i32
      %dma_start3A_86 = tpu.memref_slice %arg17[%arg1, %run_scoped3A_79, %dma_start3A_85] : memref<16x2x512xf32, #tpu.memory_space<vmem_shared>> -> memref<1x1x512xf32, #tpu.memory_space<vmem_shared>>
      %dma_start3A_87 = tpu.memref_squeeze %dma_start3A_86 : memref<1x1x512xf32, #tpu.memory_space<vmem_shared>> -> memref<512xf32, #tpu.memory_space<vmem_shared>>
      %dma_start3A_88 = arith.constant 0 : i32
      %dma_start3A_89 = tpu.memref_slice %arg17[%arg1, %run_scoped3A_79, %dma_start3A_88] : memref<16x2x512xf32, #tpu.memory_space<vmem_shared>> -> memref<1x1x512xf32, #tpu.memory_space<vmem_shared>>
      %dma_start3A_90 = tpu.memref_squeeze %dma_start3A_89 : memref<1x1x512xf32, #tpu.memory_space<vmem_shared>> -> memref<512xf32, #tpu.memory_space<vmem_shared>>
      tpu.enqueue_dma source(%arg9 : memref<512xf32, #tpu.memory_space<vmem>>) target(%dma_start3A_90 : memref<512xf32, #tpu.memory_space<vmem_shared>>) target_semaphore(%run_scoped3A_84 : memref<!tpu.dma_semaphore, #tpu.memory_space<semaphore_mem>>)
      %dma_wait3A = arith.constant 0 : i32
      %dma_wait3A_91 = tpu.memref_slice %arg17[%arg1, %run_scoped3A_79, %dma_wait3A] : memref<16x2x512xf32, #tpu.memory_space<vmem_shared>> -> memref<1x1x512xf32, #tpu.memory_space<vmem_shared>>
      %dma_wait3A_92 = tpu.memref_squeeze %dma_wait3A_91 : memref<1x1x512xf32, #tpu.memory_space<vmem_shared>> -> memref<512xf32, #tpu.memory_space<vmem_shared>>
      %dma_wait3A_93 = arith.constant 0 : i32
      %dma_wait3A_94 = tpu.memref_slice %arg17[%arg1, %run_scoped3A_79, %dma_wait3A_93] : memref<16x2x512xf32, #tpu.memory_space<vmem_shared>> -> memref<1x1x512xf32, #tpu.memory_space<vmem_shared>>
      %dma_wait3A_95 = tpu.memref_squeeze %dma_wait3A_94 : memref<1x1x512xf32, #tpu.memory_space<vmem_shared>> -> memref<512xf32, #tpu.memory_space<vmem_shared>>
      tpu.wait_dma2 semaphore(%run_scoped3A_84 : memref<!tpu.dma_semaphore, #tpu.memory_space<semaphore_mem>>) src(%arg9 : memref<512xf32, #tpu.memory_space<vmem>>) dst(%dma_wait3A_95 : memref<512xf32, #tpu.memory_space<vmem_shared>>)
      tpu.yield
    }) : () -> ()
    %barrier3A = arith.constant 0 : index
    tpu.barrier barrier_id(%barrier3A)
    %eq3A_80 = arith.constant 0 : i32
    %eq3A_81 = arith.cmpi eq, %select_n3A_30, %eq3A_80 : i32
    %convert_element_type3A_82 = arith.extui %eq3A_81 : i1 to i32
    %cond3A = arith.constant 0 : i32
    %cond3A_83 = arith.cmpi ne, %convert_element_type3A_82, %cond3A : i32
    scf.if %cond3A_83 {
      %add3A_84 = arith.constant 1 : i32
      %add3A_85 = arith.addi %arg1, %add3A_84 : i32
      %run_scoped3A_86 = arith.constant 0 : i32
      "tpu.region"() ({
        %run_scoped3A_118 = tpu.sem_alloc : memref<!tpu.dma_semaphore, #tpu.memory_space<semaphore_mem>>
        %dma_start3A_119 = arith.constant 0 : i32
        %dma_start3A_120 = tpu.memref_slice %arg17[%add3A_85, %run_scoped3A_86, %dma_start3A_119] : memref<16x2x512xf32, #tpu.memory_space<vmem_shared>> -> memref<1x1x512xf32, #tpu.memory_space<vmem_shared>>
        %dma_start3A_121 = tpu.memref_squeeze %dma_start3A_120 : memref<1x1x512xf32, #tpu.memory_space<vmem_shared>> -> memref<512xf32, #tpu.memory_space<vmem_shared>>
        %dma_start3A_122 = arith.constant 0 : i32
        %dma_start3A_123 = tpu.memref_slice %arg17[%add3A_85, %run_scoped3A_86, %dma_start3A_122] : memref<16x2x512xf32, #tpu.memory_space<vmem_shared>> -> memref<1x1x512xf32, #tpu.memory_space<vmem_shared>>
        %dma_start3A_124 = tpu.memref_squeeze %dma_start3A_123 : memref<1x1x512xf32, #tpu.memory_space<vmem_shared>> -> memref<512xf32, #tpu.memory_space<vmem_shared>>
        tpu.enqueue_dma source(%dma_start3A_124 : memref<512xf32, #tpu.memory_space<vmem_shared>>) target(%arg10 : memref<512xf32, #tpu.memory_space<vmem>>) target_semaphore(%run_scoped3A_118 : memref<!tpu.dma_semaphore, #tpu.memory_space<semaphore_mem>>)
        %dma_wait3A = arith.constant 0 : i32
        %dma_wait3A_125 = tpu.memref_slice %arg17[%add3A_85, %run_scoped3A_86, %dma_wait3A] : memref<16x2x512xf32, #tpu.memory_space<vmem_shared>> -> memref<1x1x512xf32, #tpu.memory_space<vmem_shared>>
        %dma_wait3A_126 = tpu.memref_squeeze %dma_wait3A_125 : memref<1x1x512xf32, #tpu.memory_space<vmem_shared>> -> memref<512xf32, #tpu.memory_space<vmem_shared>>
        %dma_wait3A_127 = arith.constant 0 : i32
        %dma_wait3A_128 = tpu.memref_slice %arg17[%add3A_85, %run_scoped3A_86, %dma_wait3A_127] : memref<16x2x512xf32, #tpu.memory_space<vmem_shared>> -> memref<1x1x512xf32, #tpu.memory_space<vmem_shared>>
        %dma_wait3A_129 = tpu.memref_squeeze %dma_wait3A_128 : memref<1x1x512xf32, #tpu.memory_space<vmem_shared>> -> memref<512xf32, #tpu.memory_space<vmem_shared>>
        tpu.wait_dma2 semaphore(%run_scoped3A_118 : memref<!tpu.dma_semaphore, #tpu.memory_space<semaphore_mem>>) src(%dma_wait3A_129 : memref<512xf32, #tpu.memory_space<vmem_shared>>) dst(%arg10 : memref<512xf32, #tpu.memory_space<vmem>>)
        tpu.yield
      }) : () -> ()
      %add3A_87 = arith.constant 1 : i32
      %add3A_88 = arith.addi %arg1, %add3A_87 : i32
      %run_scoped3A_89 = arith.constant 1 : i32
      "tpu.region"() ({
        %run_scoped3A_118 = tpu.sem_alloc : memref<!tpu.dma_semaphore, #tpu.memory_space<semaphore_mem>>
        %dma_start3A_119 = arith.constant 0 : i32
        %dma_start3A_120 = tpu.memref_slice %arg17[%add3A_88, %run_scoped3A_89, %dma_start3A_119] : memref<16x2x512xf32, #tpu.memory_space<vmem_shared>> -> memref<1x1x512xf32, #tpu.memory_space<vmem_shared>>
        %dma_start3A_121 = tpu.memref_squeeze %dma_start3A_120 : memref<1x1x512xf32, #tpu.memory_space<vmem_shared>> -> memref<512xf32, #tpu.memory_space<vmem_shared>>
        %dma_start3A_122 = arith.constant 0 : i32
        %dma_start3A_123 = tpu.memref_slice %arg17[%add3A_88, %run_scoped3A_89, %dma_start3A_122] : memref<16x2x512xf32, #tpu.memory_space<vmem_shared>> -> memref<1x1x512xf32, #tpu.memory_space<vmem_shared>>
        %dma_start3A_124 = tpu.memref_squeeze %dma_start3A_123 : memref<1x1x512xf32, #tpu.memory_space<vmem_shared>> -> memref<512xf32, #tpu.memory_space<vmem_shared>>
        tpu.enqueue_dma source(%dma_start3A_124 : memref<512xf32, #tpu.memory_space<vmem_shared>>) target(%arg11 : memref<512xf32, #tpu.memory_space<vmem>>) target_semaphore(%run_scoped3A_118 : memref<!tpu.dma_semaphore, #tpu.memory_space<semaphore_mem>>)
        %dma_wait3A = arith.constant 0 : i32
        %dma_wait3A_125 = tpu.memref_slice %arg17[%add3A_88, %run_scoped3A_89, %dma_wait3A] : memref<16x2x512xf32, #tpu.memory_space<vmem_shared>> -> memref<1x1x512xf32, #tpu.memory_space<vmem_shared>>
        %dma_wait3A_126 = tpu.memref_squeeze %dma_wait3A_125 : memref<1x1x512xf32, #tpu.memory_space<vmem_shared>> -> memref<512xf32, #tpu.memory_space<vmem_shared>>
        %dma_wait3A_127 = arith.constant 0 : i32
        %dma_wait3A_128 = tpu.memref_slice %arg17[%add3A_88, %run_scoped3A_89, %dma_wait3A_127] : memref<16x2x512xf32, #tpu.memory_space<vmem_shared>> -> memref<1x1x512xf32, #tpu.memory_space<vmem_shared>>
        %dma_wait3A_129 = tpu.memref_squeeze %dma_wait3A_128 : memref<1x1x512xf32, #tpu.memory_space<vmem_shared>> -> memref<512xf32, #tpu.memory_space<vmem_shared>>
        tpu.wait_dma2 semaphore(%run_scoped3A_118 : memref<!tpu.dma_semaphore, #tpu.memory_space<semaphore_mem>>) src(%dma_wait3A_129 : memref<512xf32, #tpu.memory_space<vmem_shared>>) dst(%arg11 : memref<512xf32, #tpu.memory_space<vmem>>)
        tpu.yield
      }) : () -> ()
      %parallel_loop3A_90 = arith.constant 0 : i32
      %parallel_loop3A_91 = arith.constant 32 : i32
      %parallel_loop3A_92 = arith.constant 1 : i32
      scf.for %parallel_loop3A_118 = %parallel_loop3A_90 to %parallel_loop3A_91 step %parallel_loop3A_92  : i32 {
        %parallel_loop3A_119 = arith.constant 16 : i32
        %parallel_loop3A_120 = arith.muli %parallel_loop3A_118, %parallel_loop3A_119 : i32
        %parallel_loop3A_121 = arith.index_cast %parallel_loop3A_120 : i32 to index
        %parallel_loop3A_122 = tpu.vector_load %arg8[%parallel_loop3A_121] {strides = array<i32>} : memref<512xf32, #tpu.memory_space<vmem>>, vector<16xf32>,
        %parallel_loop3A_123 = arith.index_cast %parallel_loop3A_120 : i32 to index
        %parallel_loop3A_124 = tpu.vector_load %arg10[%parallel_loop3A_123] {strides = array<i32>} : memref<512xf32, #tpu.memory_space<vmem>>, vector<16xf32>,
        %parallel_loop3A_125 = arith.addf %parallel_loop3A_122, %parallel_loop3A_124 : vector<16xf32>
        %parallel_loop3A_126 = arith.index_cast %parallel_loop3A_120 : i32 to index
        %parallel_loop3A_127 = tpu.vector_load %arg9[%parallel_loop3A_126] {strides = array<i32>} : memref<512xf32, #tpu.memory_space<vmem>>, vector<16xf32>,
        %parallel_loop3A_128 = arith.index_cast %parallel_loop3A_120 : i32 to index
        %parallel_loop3A_129 = tpu.vector_load %arg11[%parallel_loop3A_128] {strides = array<i32>} : memref<512xf32, #tpu.memory_space<vmem>>, vector<16xf32>,
        %parallel_loop3A_130 = arith.addf %parallel_loop3A_127, %parallel_loop3A_129 : vector<16xf32>
        %parallel_loop3A_131 = arith.index_cast %parallel_loop3A_120 : i32 to index
        %parallel_loop3A_132 = tpu.vector_load %arg8[%parallel_loop3A_131] {strides = array<i32>} : memref<512xf32, #tpu.memory_space<vmem>>, vector<16xf32>,
        tpu.vector_store %arg8[%parallel_loop3A_131], %parallel_loop3A_125 {strides = array<i32>} : memref<512xf32, #tpu.memory_space<vmem>>, vector<16xf32>,
        %parallel_loop3A_133 = arith.index_cast %parallel_loop3A_120 : i32 to index
        %parallel_loop3A_134 = tpu.vector_load %arg9[%parallel_loop3A_133] {strides = array<i32>} : memref<512xf32, #tpu.memory_space<vmem>>, vector<16xf32>,
        tpu.vector_store %arg9[%parallel_loop3A_133], %parallel_loop3A_130 {strides = array<i32>} : memref<512xf32, #tpu.memory_space<vmem>>, vector<16xf32>,
        %parallel_loop3A_135 = arith.constant true
        %parallel_loop3A_136 = vector.broadcast %parallel_loop3A_135 : i1 to vector<16xi1>
        %parallel_loop3A_137 = tpu.scan <sum>, %parallel_loop3A_125 masked %parallel_loop3A_136 : vector<16xf32>, vector<16xi1> -> vector<16xf32>
        %parallel_loop3A_138 = vector.extract %parallel_loop3A_137[15] : f32 from vector<16xf32>
        %parallel_loop3A_139 = arith.index_cast %parallel_loop3A_118 : i32 to index
        %parallel_loop3A_140 = memref.load %arg12[%parallel_loop3A_139] : memref<32xf32, #tpu.memory_space<smem>>
        memref.store %parallel_loop3A_138, %arg12[%parallel_loop3A_139] : memref<32xf32, #tpu.memory_space<smem>>
        %parallel_loop3A_141 = arith.constant true
        %parallel_loop3A_142 = vector.broadcast %parallel_loop3A_141 : i1 to vector<16xi1>
        %parallel_loop3A_143 = tpu.scan <sum>, %parallel_loop3A_130 masked %parallel_loop3A_142 : vector<16xf32>, vector<16xi1> -> vector<16xf32>
        %parallel_loop3A_144 = vector.extract %parallel_loop3A_143[15] : f32 from vector<16xf32>
        %parallel_loop3A_145 = arith.index_cast %parallel_loop3A_118 : i32 to index
        %parallel_loop3A_146 = memref.load %arg13[%parallel_loop3A_145] : memref<32xf32, #tpu.memory_space<smem>>
        memref.store %parallel_loop3A_144, %arg13[%parallel_loop3A_145] : memref<32xf32, #tpu.memory_space<smem>>
      } {sc.loop_unroll_factor = 2 : i64, sc.parallel_access}
      %scan3A_93 = arith.constant 0.000000e+00 : f32
      %scan3A_94 = arith.constant 0.000000e+00 : f32
      %scan3A_95 = arith.constant 0 : i32
      %scan3A_96 = arith.constant 32 : i32
      %scan3A_97 = arith.addi %scan3A_95, %scan3A_96 : i32
      %scan3A_98 = arith.constant 1 : i32
      %scan3A_99:2 = scf.for %scan3A_118 = %scan3A_95 to %scan3A_97 step %scan3A_98 iter_args(%scan3A_119 = %scan3A_93, %scan3A_120 = %scan3A_94) -> (f32, f32)  : i32 {
        %sub3A_121 = arith.constant 31 : i32
        %sub3A_122 = arith.subi %sub3A_121, %scan3A_118 : i32
        %swap3A_123 = arith.index_cast %sub3A_122 : i32 to index
        %swap3A_124 = memref.load %arg14[%swap3A_123] : memref<32xf32, #tpu.memory_space<smem>>
        memref.store %scan3A_119, %arg14[%swap3A_123] : memref<32xf32, #tpu.memory_space<smem>>
        %swap3A_125 = arith.index_cast %sub3A_122 : i32 to index
        %swap3A_126 = memref.load %arg15[%swap3A_125] : memref<32xf32, #tpu.memory_space<smem>>
        memref.store %scan3A_120, %arg15[%swap3A_125] : memref<32xf32, #tpu.memory_space<smem>>
        %get3A = arith.index_cast %sub3A_122 : i32 to index
        %get3A_127 = memref.load %arg12[%get3A] : memref<32xf32, #tpu.memory_space<smem>>
        %add3A_128 = arith.addf %scan3A_119, %get3A_127 : f32
        %get3A_129 = arith.index_cast %sub3A_122 : i32 to index
        %get3A_130 = memref.load %arg13[%get3A_129] : memref<32xf32, #tpu.memory_space<smem>>
        %add3A_131 = arith.addf %scan3A_120, %get3A_130 : f32
        scf.yield %add3A_128, %add3A_131 : f32, f32
      }
      %scan3A_100 = arith.constant 32 : i32
      %sub3A_101 = arith.constant 2.621440e+05 : f32
      %sub3A_102 = arith.subf %sub3A_101, %scan3A_99#1 : f32
      %broadcast_in_dim3A_103 = arith.constant 0.000000e+00 : f32
      %broadcast_in_dim3A_104 = vector.broadcast %broadcast_in_dim3A_103 : f32 to vector<16xf32>
      %parallel_loop3A_105 = arith.constant 0 : i32
      %parallel_loop3A_106 = arith.constant 32 : i32
      %parallel_loop3A_107 = arith.constant 1 : i32
      %parallel_loop3A_108 = scf.for %parallel_loop3A_118 = %parallel_loop3A_105 to %parallel_loop3A_106 step %parallel_loop3A_107 iter_args(%parallel_loop3A_119 = %broadcast_in_dim3A_104) -> (vector<16xf32>)  : i32 {
        %parallel_loop3A_120 = arith.constant 16 : i32
        %parallel_loop3A_121 = arith.muli %parallel_loop3A_118, %parallel_loop3A_120 : i32
        %parallel_loop3A_122 = arith.index_cast %parallel_loop3A_121 : i32 to index
        %parallel_loop3A_123 = tpu.vector_load %arg8[%parallel_loop3A_122] {strides = array<i32>} : memref<512xf32, #tpu.memory_space<vmem>>, vector<16xf32>,
        %parallel_loop3A_124 = arith.index_cast %parallel_loop3A_121 : i32 to index
        %parallel_loop3A_125 = tpu.vector_load %arg9[%parallel_loop3A_124] {strides = array<i32>} : memref<512xf32, #tpu.memory_space<vmem>>, vector<16xf32>,
        %parallel_loop3A_126 = arith.constant 15 : i32
        %parallel_loop3A_127 = vector.broadcast %parallel_loop3A_126 : i32 to vector<16xi32>
        %parallel_loop3A_128 = tpu.iota {dimensions = array<i32: 0>} : vector<16xi32>
        %parallel_loop3A_129 = arith.subi %parallel_loop3A_127, %parallel_loop3A_128 : vector<16xi32>
        %parallel_loop3A_130 = tpu.dynamic_gather %parallel_loop3A_123[%parallel_loop3A_129] in [0] : vector<16xf32>, vector<16xi32> -> vector<16xf32>
        %parallel_loop3A_131 = arith.constant true
        %parallel_loop3A_132 = vector.broadcast %parallel_loop3A_131 : i1 to vector<16xi1>
        %parallel_loop3A_133 = tpu.scan <sum>, %parallel_loop3A_130 masked %parallel_loop3A_132 : vector<16xf32>, vector<16xi1> -> vector<16xf32>
        %parallel_loop3A_134 = arith.constant 15 : i32
        %parallel_loop3A_135 = vector.broadcast %parallel_loop3A_134 : i32 to vector<16xi32>
        %parallel_loop3A_136 = tpu.iota {dimensions = array<i32: 0>} : vector<16xi32>
        %parallel_loop3A_137 = arith.subi %parallel_loop3A_135, %parallel_loop3A_136 : vector<16xi32>
        %parallel_loop3A_138 = tpu.dynamic_gather %parallel_loop3A_133[%parallel_loop3A_137] in [0] : vector<16xf32>, vector<16xi32> -> vector<16xf32>
        %parallel_loop3A_139 = arith.index_cast %parallel_loop3A_118 : i32 to index
        %parallel_loop3A_140 = memref.load %arg14[%parallel_loop3A_139] : memref<32xf32, #tpu.memory_space<smem>>
        %parallel_loop3A_141 = vector.broadcast %parallel_loop3A_140 : f32 to vector<16xf32>
        %parallel_loop3A_142 = arith.addf %parallel_loop3A_138, %parallel_loop3A_141 : vector<16xf32>
        %parallel_loop3A_143 = arith.constant 15 : i32
        %parallel_loop3A_144 = vector.broadcast %parallel_loop3A_143 : i32 to vector<16xi32>
        %parallel_loop3A_145 = tpu.iota {dimensions = array<i32: 0>} : vector<16xi32>
        %parallel_loop3A_146 = arith.subi %parallel_loop3A_144, %parallel_loop3A_145 : vector<16xi32>
        %parallel_loop3A_147 = tpu.dynamic_gather %parallel_loop3A_125[%parallel_loop3A_146] in [0] : vector<16xf32>, vector<16xi32> -> vector<16xf32>
        %parallel_loop3A_148 = arith.constant true
        %parallel_loop3A_149 = vector.broadcast %parallel_loop3A_148 : i1 to vector<16xi1>
        %parallel_loop3A_150 = tpu.scan <sum>, %parallel_loop3A_147 masked %parallel_loop3A_149 : vector<16xf32>, vector<16xi1> -> vector<16xf32>
        %parallel_loop3A_151 = arith.constant 15 : i32
        %parallel_loop3A_152 = vector.broadcast %parallel_loop3A_151 : i32 to vector<16xi32>
        %parallel_loop3A_153 = tpu.iota {dimensions = array<i32: 0>} : vector<16xi32>
        %parallel_loop3A_154 = arith.subi %parallel_loop3A_152, %parallel_loop3A_153 : vector<16xi32>
        %parallel_loop3A_155 = tpu.dynamic_gather %parallel_loop3A_150[%parallel_loop3A_154] in [0] : vector<16xf32>, vector<16xi32> -> vector<16xf32>
        %parallel_loop3A_156 = arith.index_cast %parallel_loop3A_118 : i32 to index
        %parallel_loop3A_157 = memref.load %arg15[%parallel_loop3A_156] : memref<32xf32, #tpu.memory_space<smem>>
        %parallel_loop3A_158 = vector.broadcast %parallel_loop3A_157 : f32 to vector<16xf32>
        %parallel_loop3A_159 = arith.addf %parallel_loop3A_155, %parallel_loop3A_158 : vector<16xf32>
        %parallel_loop3A_160 = arith.constant 0.000000e+00 : f32
        %parallel_loop3A_161 = vector.broadcast %parallel_loop3A_160 : f32 to vector<16xf32>
        %parallel_loop3A_162 = arith.cmpf ogt, %parallel_loop3A_142, %parallel_loop3A_161 : vector<16xf32>
        %parallel_loop3A_163 = vector.broadcast %sub3A_102 : f32 to vector<16xf32>
        %parallel_loop3A_164 = arith.addf %parallel_loop3A_163, %parallel_loop3A_159 : vector<16xf32>
        %parallel_loop3A_165 = arith.divf %parallel_loop3A_142, %parallel_loop3A_164 : vector<16xf32>
        %parallel_loop3A_166 = arith.constant 0.000000e+00 : f32
        %parallel_loop3A_167 = vector.broadcast %parallel_loop3A_166 : f32 to vector<16xf32>
        %parallel_loop3A_168 = arith.select %parallel_loop3A_162, %parallel_loop3A_165, %parallel_loop3A_167 : vector<16xi1>, vector<16xf32>
        %parallel_loop3A_169 = arith.addf %parallel_loop3A_119, %parallel_loop3A_168 : vector<16xf32>
        scf.yield %parallel_loop3A_169 : vector<16xf32>
      } {sc.loop_unroll_factor = 2 : i64, sc.parallel_access}
      %reduce_sum3A = arith.constant true
      %reduce_sum3A_109 = vector.broadcast %reduce_sum3A : i1 to vector<16xi1>
      %reduce_sum3A_110 = tpu.scan <sum>, %parallel_loop3A_108 masked %reduce_sum3A_109 : vector<16xf32>, vector<16xi1> -> vector<16xf32>
      %reduce_sum3A_111 = vector.extract %reduce_sum3A_110[15] : f32 from vector<16xf32>
      %sub3A_112 = arith.constant 1.000000e+00 : f32
      %sub3A_113 = arith.subf %reduce_sum3A_111, %sub3A_112 : f32
      %mul3A_114 = arith.constant 0.00195694715 : f32
      %mul3A_115 = arith.mulf %sub3A_113, %mul3A_114 : f32
      %broadcast_in_dim3A_116 = vector.broadcast %mul3A_115 : f32 to vector<16xf32>
      %swap3A = arith.constant 0 : index
      %swap3A_117 = tpu.vector_load %arg16[%swap3A] {strides = array<i32>} : memref<16xf32, #tpu.memory_space<vmem>>, vector<16xf32>,
      tpu.vector_store %arg16[%swap3A], %broadcast_in_dim3A_116 {strides = array<i32>} : memref<16xf32, #tpu.memory_space<vmem>>, vector<16xf32>,
      "tpu.region"() ({
        %run_scoped3A_118 = tpu.sem_alloc : memref<!tpu.dma_semaphore, #tpu.memory_space<semaphore_mem>>
        %dma_start3A_119 = arith.constant 0 : i32
        %dma_start3A_120 = tpu.memref_slice %arg4[%add3A, %dma_start3A_119] : memref<16x16xf32, #tpu.memory_space<hbm>> -> memref<1x16xf32, #tpu.memory_space<hbm>>
        %dma_start3A_121 = tpu.memref_squeeze %dma_start3A_120 : memref<1x16xf32, #tpu.memory_space<hbm>> -> memref<16xf32, #tpu.memory_space<hbm>>
        %dma_start3A_122 = arith.constant 0 : i32
        %dma_start3A_123 = tpu.memref_slice %arg4[%add3A, %dma_start3A_122] : memref<16x16xf32, #tpu.memory_space<hbm>> -> memref<1x16xf32, #tpu.memory_space<hbm>>
        %dma_start3A_124 = tpu.memref_squeeze %dma_start3A_123 : memref<1x16xf32, #tpu.memory_space<hbm>> -> memref<16xf32, #tpu.memory_space<hbm>>
        tpu.enqueue_dma source(%arg16 : memref<16xf32, #tpu.memory_space<vmem>>) target(%dma_start3A_124 : memref<16xf32, #tpu.memory_space<hbm>>) target_semaphore(%run_scoped3A_118 : memref<!tpu.dma_semaphore, #tpu.memory_space<semaphore_mem>>)
        %dma_wait3A = arith.constant 0 : i32
        %dma_wait3A_125 = tpu.memref_slice %arg4[%add3A, %dma_wait3A] : memref<16x16xf32, #tpu.memory_space<hbm>> -> memref<1x16xf32, #tpu.memory_space<hbm>>
        %dma_wait3A_126 = tpu.memref_squeeze %dma_wait3A_125 : memref<1x16xf32, #tpu.memory_space<hbm>> -> memref<16xf32, #tpu.memory_space<hbm>>
        %dma_wait3A_127 = arith.constant 0 : i32
        %dma_wait3A_128 = tpu.memref_slice %arg4[%add3A, %dma_wait3A_127] : memref<16x16xf32, #tpu.memory_space<hbm>> -> memref<1x16xf32, #tpu.memory_space<hbm>>
        %dma_wait3A_129 = tpu.memref_squeeze %dma_wait3A_128 : memref<1x16xf32, #tpu.memory_space<hbm>> -> memref<16xf32, #tpu.memory_space<hbm>>
        tpu.wait_dma2 semaphore(%run_scoped3A_118 : memref<!tpu.dma_semaphore, #tpu.memory_space<semaphore_mem>>) src(%arg16 : memref<16xf32, #tpu.memory_space<vmem>>) dst(%dma_wait3A_129 : memref<16xf32, #tpu.memory_space<hbm>>)
        tpu.yield
      }) : () -> ()
    } else {
    }
    return
  }
}

</mosaic_0001>

<sc_bundles>
// kernel: kernel.3.cloned.1.call-start
scs
__scs_entry_jumppad:
0x0: {  	(pc) =	sbr.rel $0x88, $3  }
0x1: {  	(tag) =	ssettag $0x0;
	lr =	simm.s32 $0x1  }
0x2: {  	[smem:$0x3F9F] =	sst lr;
	_ =	strace $0xD0000000  }
0x3: {  	_ = 	snop  }
0x4: {  	_ = 	snop  }
0x5: {  	_ = 	snop  }
0x6: {  	_ = 	snop  }
0x7: {  	_ = 	snop  }
__scs_overlays_trampoline_lowered:
0x8: {  	[smem:$0x3FAE] =	sst s0  }
0x9: {  	[smem:$0x3FAF] =	sst s1  }
0xa: {  	[smem:$0x3FB0] =	sst s2  }
0xb: {  	[smem:$0x3FB1] =	sst s3  }
0xc: {  	[smem:$0x3FB2] =	sst s4  }
0xd: {  	[smem:$0x3FB3] =	sst s5  }
0xe: {  	[smem:$0x3FB4] =	sst s6  }
0xf: {  	[smem:$0x3FB5] =	sst s7  }
0x10: {  	[smem:$0x3FB6] =	sst s8  }
0x11: {  	[smem:$0x3FB7] =	sst s9;
	s0 =	simm.s32 @!p0 $0x0  }
0x12: {  	s1 =	sld [smem:$0x3F9D];
	s0 =	simm.s32 @p0 $0x1  }
0x13: {  	[smem:$0x3FB8] =	sst s0;
	s0 =	simm.s32 @!p1 $0x0  }
0x14: {  	s2 =	sld [smem:$0x3F9C];
	s0 =	simm.s32 @p1 $0x1  }
0x15: {  	[smem:$0x3FB9] =	sst s0;
	s0 =	simm.s32 @!p2 $0x0  }
0x16: {  	s3 =	sld [smem:$0x3FDB];
	s0 =	simm.s32 @p2 $0x1  }
0x17: {  	s4 =	simm.s32 $0x1BF5;
	[smem:$0x3FBB] =	sst s0  }
0x18: {  	s0 =	sld [smem:$0x3F9E];
	_ =	swait.ge [sflag:s4], $0x0  }
0x19: {  	s7 =	sld [smem:$0x3F9F]  }
0x1a: {  	s8 =	sadd.s32 $0xFFFFE003, lr  }
0x1b: {  	s9 =	sadd.s32 $0xFFFFFEF7, lr;
	s5 =	simm.s32 $0xFFFFFFFF;
	p2 =	slt.u32 s8, $0xFFFFF086  }
0x1c: {  	p1 =	slt.u32 s9, $0xF7A;
	s5 =	simm.s32 @!p2 $0x0  }
0x1d: {  	s5 =	simm.s32 @p1 $0x1;
	p0 =	seq.s32 s7, s2  }
0x1e: {  	s7 =	smul.u32 @!p0 $0xF7A, s2;
	p2 =	seq.s32 @!p0 s5, $0x0  }
0x1f: {  	s9 =	smul.u32 $0xF7A, s1;
	s8 =	simm.s32 @!p0 $0x1BF5;
	p2 =	por !p2, p0  }
0x20: {  	[sflag:s8] =	ssyncset.s32 @!p0 $0xFFFFF086;
	s6 =	sadd.s32 @!p0 s3, s7;
	s7 =	simm.s32 @!p0 $0x108  }
0x21: {  	s3 =	sadd.s32 s3, s9;
	s6 =	sadd.s32 @!p0 $0x88, s6;
	s7 =	simm.s32 @p2 $0x1082  }
0x22: {  	[simem:s7], [sflag:s8] =	dma.local @!p0 [hbm:s6], $0xF7A  }
0x23: {  	s9 =	sor.u32 $0xD0000000, s2;
	s6 =	simm.s32 $0x108;
	_ =	swait.ge @!p0 [sflag:s8], $0x0  }
0x24: {  	s3 =	sadd.s32 $0x88, s3;
	s6 =	simm.s32 @!p1 $0x1082;
	[sflag:s4] =	ssyncset.s32 $0xFFFFF086  }
0x25: {  	[simem:s6], [sflag:s4] =	dma.local [hbm:s3], $0xF7A  }
0x26: {  	[smem:$0x3F9F] =	sst s1;
	(tag) =	ssettag s2;
	_ =	strace s9  }
0x27: {  	s1 =	sld [smem:$0x3FAF]  }
0x28: {  	s2 =	sld [smem:$0x3FB0]  }
0x29: {  	s4 =	sld [smem:$0x3FB2]  }
0x2a: {  	p0 =	seq.s32 s5, $0x0;
	s5 =	sld [smem:$0x3FB3]  }
0x2b: {  	s6 =	sld [smem:$0x3FB4]  }
0x2c: {  	s7 =	sld [smem:$0x3FB5]  }
0x2d: {  	s3 =	simm.s32 $0x108;
	s8 =	sld [smem:$0x3FB6]  }
0x2e: {  	s3 =	simm.s32 @!p0 $0x1082;
	s9 =	sld [smem:$0x3FB7]  }
0x2f: {  	lr =	sadd.s32 s0, s3;
	s0 =	sld [smem:$0x3FAE]  }
0x30: {  	s3 =	sld [smem:$0x3FB1]  }
0x31: {  	[smem:$0x3FBA] =	sst s10  }
0x32: {  	s10 =	sld [smem:$0x3FB8];
	_ =	sdelay $0x3  }
0x33: {  	p0 =	seq.s32 s10, $0x1;
	s10 =	sld [smem:$0x3FBA];
	_ =	sdelay $0x3  }
0x34: {  	[smem:$0x3FBA] =	sst s10  }
0x35: {  	s10 =	sld [smem:$0x3FB9];
	_ =	sdelay $0x3  }
0x36: {  	p1 =	seq.s32 s10, $0x1;
	s10 =	sld [smem:$0x3FBA];
	_ =	sdelay $0x3  }
0x37: {  	[smem:$0x3FBA] =	sst s10  }
0x38: {  	s10 =	sld [smem:$0x3FBB]  }
0x39: {  	_ = 	snop;
	(pc) =	sbr.ind lr, $3  }
0x3a: {  	_ = 	snop  }
0x3b: {  	_ = 	snop  }
0x3c: {  	p2 =	seq.s32 s10, $0x1;
	s10 =	sld [smem:$0x3FBA]  }
0x3d: {  	_ =	shalt  }
0x3e: {  	_ =	shalt  }
0x3f: {  	_ =	shalt  }
0x40: {  	_ =	shalt  }
0x41: {  	_ =	shalt  }
0x42: {  	_ =	shalt  }
0x43: {  	_ =	shalt  }
0x44: {  	_ =	shalt  }
0x45: {  	_ =	shalt  }
0x46: {  	_ =	shalt  }
0x47: {  	_ =	shalt  }
0x48: {  	_ =	shalt  }
0x49: {  	_ =	shalt  }
0x4a: {  	_ =	shalt  }
0x4b: {  	_ =	shalt  }
0x4c: {  	_ =	shalt  }
0x4d: {  	_ =	shalt  }
0x4e: {  	_ =	shalt  }
0x4f: {  	_ =	shalt  }
0x50: {  	_ =	shalt  }
0x51: {  	_ =	shalt  }
0x52: {  	_ =	shalt  }
0x53: {  	_ =	shalt  }
0x54: {  	_ =	shalt  }
0x55: {  	_ =	shalt  }
0x56: {  	_ =	shalt  }
0x57: {  	_ =	shalt  }
0x58: {  	_ =	shalt  }
0x59: {  	_ =	shalt  }
0x5a: {  	_ =	shalt  }
0x5b: {  	_ =	shalt  }
0x5c: {  	_ =	shalt  }
0x5d: {  	_ =	shalt  }
0x5e: {  	_ =	shalt  }
0x5f: {  	_ =	shalt  }
0x60: {  	_ =	shalt  }
0x61: {  	_ =	shalt  }
0x62: {  	_ =	shalt  }
0x63: {  	_ =	shalt  }
0x64: {  	_ =	shalt  }
0x65: {  	_ =	shalt  }
0x66: {  	_ =	shalt  }
0x67: {  	_ =	shalt  }
0x68: {  	_ =	shalt  }
0x69: {  	_ =	shalt  }
0x6a: {  	_ =	shalt  }
0x6b: {  	_ =	shalt  }
0x6c: {  	_ =	shalt  }
0x6d: {  	_ =	shalt  }
0x6e: {  	_ =	shalt  }
0x6f: {  	_ =	shalt  }
0x70: {  	_ =	shalt  }
0x71: {  	_ =	shalt  }
0x72: {  	_ =	shalt  }
0x73: {  	_ =	shalt  }
0x74: {  	_ =	shalt  }
0x75: {  	_ =	shalt  }
0x76: {  	_ =	shalt  }
0x77: {  	_ =	shalt  }
0x78: {  	_ =	shalt  }
0x79: {  	_ =	shalt  }
0x7a: {  	_ =	shalt  }
0x7b: {  	_ =	shalt  }
0x7c: {  	_ =	shalt  }
0x7d: {  	_ =	shalt  }
0x7e: {  	_ =	shalt  }
0x7f: {  	_ =	shalt  }
0x80: {  	_ =	shalt  }
0x81: {  	_ =	shalt  }
0x82: {  	_ =	shalt  }
0x83: {  	_ =	shalt  }
0x84: {  	_ =	shalt  }
0x85: {  	_ =	shalt  }
0x86: {  	_ =	shalt  }
0x87: {  	_ =	shalt  }
.Lfunc_end0:
.L_simem_size_0:
called_computation_lowered:
.L_overlay_start_0:
0x88: {  	s2 =	sld [smem:$0x3FD9]  }
0x89: {  	s3 =	sld [smem:$0x3FFE];
	_ =	sdelay $0x1  }
0x8a: {  	s1 =	srdreg.scid  }
0x8b: {  	s0 =	sand.u32 $0x1, s1  }
0x8c: {  	s17 =	sshll.u32 s0, $0xA;
	s2 =	sadd.s32 s3, s2  }
0x8d: {  	s2 =	sadd.s32 s2, s17  }
0x8e: {  	[smem:$0x3FC6] =	sst s2  }
0x8f: {  	_ = 	snop  }
0x90: {  	s2 =	sld [smem:$0x3FC9]  }
0x91: {  	s18 =	sld [smem:$0x3FC8];
	(tm) =	ssettm $0x1  }
0x92: {  	s4 =	sld [smem:$0x3FFB];
	_ =	sdelay $0x3  }
0x93: {  	_ =	strace s4  }
0x94: {  	s4 =	sld [smem:$0x3FFC];
	_ =	sdelay $0x3  }
0x95: {  	_ =	strace s4  }
0x96: {  	s4 =	sld [smem:$0x3FFD];
	_ =	sdelay $0x3  }
0x97: {  	_ =	strace s4  }
0x98: {  	_ =	strace $0x8FFFFFFF  }
0x99: {  	s19 =	sld [smem:$0x3FDB];
	_ =	sdelay $0x1  }
0x9a: {  	s5 =	simm.s32 $_scs_section_size  }
0x9b: {  	s6 =	simm.s32 $_size__tile_overlayer_lowered;
	s7 =	simm.s32 $_tile_overlayer_lowered  }
0x9c: {  	s22 =	simm.s32 $0x1BFF;
	s21 =	sshll.u32 s7, $0x1;
	s4 =	sadd.s32 s5, s19  }
0x9d: {  	s8 =	simm.s32 $0x0;
	s20 =	sshll.u32 s6, $0x1;
	s6 =	sadd.s32 s21, s4  }
0x9e: {  	[timem:s8], [sflag:s22] =	dma.local [hbm:s6], s20  }
0x9f: {  	_ =	swait.ge [sflag:s22], s20  }
0xa0: {  	s5 =	ssub.s32 $0x0, s20;
	[sflag:s22] =	ssyncset.done $0x0  }
0xa1: {  	[sflag:s22] =	ssyncadd.s32 s5;
	_ =	sdelay $0x1  }
0xa2: {  	s23 =	simm.s32 $0x1B8B  }
0xa3: {  	_ =	swait.ge [sflag:s23], $0x1  }
0xa4: {  	[sflag:s23] =	ssyncset.done $0x0  }
0xa5: {  	s25 =	simm.s32 $0x1B8E;
	s24 =	sld [smem:$0x3FFE];
	[sflag:s23] =	ssyncadd.s32 $0xFFFFFFFF  }
0xa6: {  	s26 =	simm.s32 $execute0_lowered;
	[smem:$0x3FD2] =	sst s25  }
0xa7: {  	s6 =	sshll.u32 s26, $0x1;
	_ =	strace $0x80000046;
	[dreg:$0x1] =	wrdreg $0xFFFFFFFF  }
0xa8: {  	s28 =	simm.s32 $_size_execute0_lowered;
	s4 =	sadd.s32 s4, s6;
	[dreg:$0x0] =	wrdreg $0x0  }
0xa9: {  	s6 =	sshll.u32 s28, $0x1;
	[dreg:$0x2] =	wrdreg s4  }
0xaa: {  	[dreg:$0x3] =	wrdreg s6  }
0xab: {  	[dreg:$0x4] =	wrdreg $0xC0  }
0xac: {  	_ =	task [dreg:s8], $0x5FFFF  }
0xad: {  	[dreg:$0x1] =	wrdreg $0xFFFFFFFF  }
0xae: {  	[dreg:$0x0] =	wrdreg $0x60  }
0xaf: {  	[dreg:$0x2] =	wrdreg s2  }
0xb0: {  	[dreg:$0x3] =	wrdreg s18  }
0xb1: {  	[dreg:$0x4] =	wrdreg s24  }
0xb2: {  	[dreg:$0x5] =	wrdreg $0x128800  }
0xb3: {  	[dreg:$0x6] =	wrdreg $0x9  }
0xb4: {  	_ =	task.clear_ibuf [dreg:s8], $0x7FFFF;
	_ =	strace $0x90000046  }
0xb5: {  	s29 =	simm.s32 $0x9;
	_ =	strace $0x80000048  }
0xb6: {  	_ =	swait.ge [sflag:s29], $0x1  }
0xb7: {  	[sflag:s29] =	ssyncadd.s32 $0xFFFFFFFF  }
0xb8: {  	_ =	strace $0x90000048  }
0xb9: {  	_ =	sfence  }
0xba: {  	s30 =	sld [smem:$0x0];
	_ =	sdelay $0x2  }
0xbb: {  	s31 =	sshll.u32 s1, $0xD;
	s1 =	sshrl.u32 s1, $0x2  }
0xbc: {  	s3 =	sand.u32 $0x4000, s31;
	s1 =	sadd.s32 s1, s30  }
0xbd: {  	s0 =	sor.u32 s3, s0;
	s1 =	sshll.u32 s1, $0x11  }
0xbe: {  	s0 =	sor.u32 s1, s0  }
0xbf: {  	s0 =	sadd.s32 $0x8F2B, s0  }
0xc0: {  	[sflag:s0] =	ssyncadd.remote.s32 $0x1  }
0xc1: {  	_ =	sfence.sel $0xFFFF  }
0xc2: {  	[dreg:$0x0] =	wrdreg $0xFFFFFFFF;
	(pc) =	sbr.abs _section_cstart, $3  }
0xc3: {  	[dreg:$0x1] =	wrdreg $0xFFFFFFFF  }
0xc4: {  	_ =	task.clear_ibuf [dreg:s8], $0x2FFFF;
	_ =	strace $0x9FFFFFFF  }
0xc5: {  	(tm) =	ssettm $0x7FFFFFFF  }
tec
execute0_lowered:
.L_overlay_start_1:
0x0: {  	(tag) =	ssettag $0x1  }
0x1: {  	s1 =	rddreg [dreg:$0x0]  }
0x2: {  	s2 =	rddreg [dreg:$0x1]  }
0x3: {  	s0 =	rddreg [dreg:$0x2];
	v0 =	vimm.f32 $8.396288000e+06;
	vm0 =	vcmask $0x300  }
0x4: {  	s3 =	rddreg [dreg:$0x3];
	s4 =	simm.s32 $0x0;
	vm14 =	vcmask $0x704;
	v0 =	vsel vm0, $0x4B000000, v0  }
0x5: {  	s5 =	srdreg.scid;
	s12 =	stileid.u32;
	vm15 =	vcmask $0xB08;
	s15 =	simm.s32 $0x1;
	v0 =	vsel vm14, $0x4B000200, v0  }
0x6: {  	vm4 =	vcmask $0xF0C;
	s16 =	simm.s32 $0x2;
	s18 =	simm.s32 $0x100;
	s19 =	simm.s32 $0x12000;
	v0 =	vsel vm15, $0x4B000400, v0  }
0x7: {  	vm5 =	vcmask $0x1310;
	s20 =	simm.s32 $0x3;
	s21 =	simm.s32 $0x12200;
	s25 =	simm.s32 $0x0;
	v0 =	vsel vm4, $0x4B000600, v0  }
0x8: {  	vm6 =	vcmask $0x1714;
	[smem:$0x7FF] =	sst s4;
	s9 =	sand.u32 $0x1, s5;
	s10 =	sshll.u32 s12, $0x6;
	v0 =	vsel vm5, $0x4B000800, v0  }
0x9: {  	vm7 =	vcmask $0x1B18;
	s17 =	sand.u32 $0x1, s12;
	s29 =	sshll.u32 s12, $0xA;
	s5 =	sshll.u32 s9, $0x15;
	v0 =	vsel vm6, $0x4B000A00, v0  }
0xa: {  	vm8 =	vcmask $0x1F1C;
	vm9 =	vcmask $0x2320;
	s6 =	sand.u32 $0x380, s10;
	s7 =	ssub.s32 $0x2, s9;
	s8 =	sshll.u32 s17, $0x14;
	v0 =	vsel vm7, $0x4B000C00, v0  }
0xb: {  	_ =	strace $0x80000047;
	s30 =	sshll.u32 s17, $0x11;
	s31 =	sshll.u32 s9, $0xA;
	v0 =	vsel vm8, $0x4B000E00, v0  }
0xc: {  	vm10 =	vcmask $0x2724;
	p0 =	sne.s32 s17, $0x0;
	s11 =	sor.u32 s6, s5;
	s26 =	sshrl.u32 s7, $0x1;
	v0 =	vsel vm9, $0x4B001000, v0  }
0xd: {  	vm11 =	vcmask $0x2B28;
	s17 =	simm.s32 $0x80;
	s6 =	sor.u32 s8, s11;
	s13 =	ssub.s32 s7, s26;
	v0 =	vsel vm10, $0x4B001200, v0  }
.Ltmp0:
0xe: {  	vm12 =	vcmask $0x2F2C;
	v1 =	vlaneseq.u32;
	s11 =	sshrl.u32 s11, $0x3;
	s28 =	sshrl.u32 s6, $0x3;
	v0 =	vsel vm11, $0x4B001400, v0;
	(pc) =	sbr.rel .LBB2_1-.Ltmp0, $4  }
0xf: {  	vm13 =	vcmask $0x3330;
	v3 =	vmul.u32 $0xFFFFFFFF, v1;
	s6 =	sadd.s32 s29, s3;
	s3 =	sor.u32 s10, s31;
	s11 =	sor.u32 s11, s30;
	v0 =	vsel vm12, $0x4B001600, v0  }
0x10: {  	vm14 =	vcmask $0x3734;
	s13 =	smax.u32 s13, $0x1;
	s5 =	sadd.s32 s1, s28;
	s7 =	sadd.s32 s2, s28;
	v2 =	vsel vm13, $0x4B001800, v0  }
0x11: {  	vm15 =	vcmask $0x3B38;
	v3 =	vadd.s32 $0xF, v3;
	s8 =	sadd.s32 $0x80, s6;
	s9 =	sadd.s32 $0x400, s6;
	s3 =	sshrl.u32 s3, $0x3;
	v1 =	vsel vm14, $0x4B001A00, v2  }
0x12: {  	s10 =	sadd.s32 $0x480, s6;
	s14 =	sor.u32 $0x8000, s11;
	s12 =	sadd.s32 s0, s3;
	v0 =	vimm.s32 $0x0;
	v2 =	vimm.s32 $0x4001;
	v1 =	vsel vm15, $0x4B001C00, v1  }
.LBB2_33:
0x13: {  	s25 =	sadd.s32 $0x1, s25  }
0x14: {  	p1 =	sne.s32 s25, s13  }
.Ltmp1:
0x15: {  	_ = 	snop;
	(pc) =	sbr.rel @!p1 .LBB2_34-.Ltmp1, $1  }
0x16: {  	_ =	sdelay $0x3  }
.LBB2_1:
0x17: {  	s0 =	simm.s32 $0x2000  }
0x18: {  	s3 =	simm.s32 $0x80;
	s23 =	sadd.s32 $0x0, s5;
	s22 =	simm.s32 $0x2100  }
.LBB2_2:
0x19: {  	[tilespmem:s0], [sflag:$0x1] =	stream.linear.gather [hbm4b:s23+s4], $0x80, $0x38;
	[tilespmem:$0x12C80] =	vst v63  }
0x1a: {  	s23 =	smov.u32 s3;
	s0 =	smov.u32 s22;
	p1 =	sne.s32 s3, $0x3F80  }
.Ltmp2:
0x1b: {  	s3 =	sadd.s32 $0x80, s3;
	(pc) =	sbr.rel @p1 .LBB2_2-.Ltmp2, $2  }
0x1c: {  	_ =	sdelay $0x2  }
0x1d: {  	s22 =	sadd.s32 $0x100, s22;
	s23 =	sadd.s32 s23, s5  }
0x1e: {  	[tilespmem:s0], [sflag:$0x1] =	stream.linear.gather [hbm4b:s23+s4], $0x80, $0x38;
	[tilespmem:$0x12C80] =	vst v63  }
0x1f: {  	s0 =	simm.s32 $0x0;
	s3 =	simm.s32 $0xA000  }
.LBB2_4:
0x20: {  	p1 =	sne.s32 s0, $0x3F80  }
.Ltmp3:
0x21: {  	_ = 	snop;
	(pc) =	sbr.rel @p1 .LBB2_4-.Ltmp3, $4  }
0x22: {  	_ = 	snop  }
0x23: {  	s22 =	sadd.s32 s0, s7  }
0x24: {  	[tilespmem:s3], [sflag:$0x1] =	stream.linear.gather [hbm4b:s22+s4], $0x80, $0x38;
	[tilespmem:$0x12C80] =	vst v63  }
0x25: {  	s0 =	sadd.s32 $0x80, s0;
	s3 =	sadd.s32 $0x100, s3  }
0x26: {  	s0 =	simm.s32 $0x40  }
0x27: {  	[tilespmem:s0+$0xFFFFFFC0] =	vst v0  }
0x28: {  	[tilespmem:s0+$0x30] =	vst v0  }
0x29: {  	[tilespmem:s0+$0x20] =	vst v0  }
0x2a: {  	[tilespmem:s0+$0x10] =	vst v0  }
0x2b: {  	[tilespmem:s0+$0x0] =	vst v0  }
0x2c: {  	[tilespmem:s0+$0xFFFFFFF0] =	vst v0  }
0x2d: {  	s3 =	simm.s32 $0x0;
	[tilespmem:s0+$0xFFFFFFE0] =	vst v0  }
.LBB2_6:
0x2e: {  	s3 =	sadd.s32 $0x80, s3;
	[tilespmem:s0+$0xFFFFFFD0] =	vst v0;
	s0 =	sadd.s32 $0x80, s0  }
0x2f: {  	[tilespmem:s0+$0xFFFFFFC0] =	vst v0;
	p1 =	slt.u32 s3, $0x1F80  }
0x30: {  	[tilespmem:s0+$0x30] =	vst v0  }
.Ltmp4:
0x31: {  	[tilespmem:s0+$0x20] =	vst v0;
	(pc) =	sbr.rel @p1 .LBB2_6-.Ltmp4, $4  }
0x32: {  	[tilespmem:s0+$0x10] =	vst v0  }
0x33: {  	[tilespmem:s0+$0x0] =	vst v0  }
0x34: {  	[tilespmem:s0+$0xFFFFFFF0] =	vst v0  }
0x35: {  	[tilespmem:s0+$0xFFFFFFE0] =	vst v0  }
0x36: {  	[tilespmem:s0+$0xFFFFFFD0] =	vst v0;
	s26 =	simm.s32 $0x0  }
.LBB2_8:
0x37: {  	s28 =	sshll.u32 s26, $0xF  }
0x38: {  	s0 =	sadd.s32 s28, s11  }
0x39: {  	s0 =	sadd.s32 $0x4000, s0  }
0x3a: {  	s22 =	simm.s32 $0x2080;
	s3 =	sadd.s32 s1, s0  }
0x3b: {  	s23 =	simm.s32 $0x80;
	s29 =	simm.s32 $0x2180;
	s30 =	sadd.s32 $0x0, s3  }
.LBB2_9:
0x3c: {  	[tilespmem:s22], [sflag:$0x2] =	stream.linear.gather [hbm4b:s30+s4], $0x80, $0x38;
	[tilespmem:$0x12C80] =	vst v63  }
0x3d: {  	s30 =	smov.u32 s23;
	s22 =	smov.u32 s29;
	p1 =	sne.s32 s23, $0x3F80  }
.Ltmp5:
0x3e: {  	s23 =	sadd.s32 $0x80, s23;
	(pc) =	sbr.rel @p1 .LBB2_9-.Ltmp5, $2  }
0x3f: {  	_ =	sdelay $0x2  }
0x40: {  	s29 =	sadd.s32 $0x100, s29;
	s30 =	sadd.s32 s30, s3  }
0x41: {  	[tilespmem:s22], [sflag:$0x2] =	stream.linear.gather [hbm4b:s30+s4], $0x80, $0x38;
	[tilespmem:$0x12C80] =	vst v63  }
0x42: {  	s0 =	sadd.s32 s2, s0;
	s3 =	simm.s32 $0xA080  }
0x43: {  	s22 =	simm.s32 $0x80;
	s23 =	simm.s32 $0xA180;
	s29 =	sadd.s32 $0x0, s0  }
.LBB2_11:
0x44: {  	[tilespmem:s3], [sflag:$0x2] =	stream.linear.gather [hbm4b:s29+s4], $0x80, $0x38;
	[tilespmem:$0x12C80] =	vst v63  }
0x45: {  	s29 =	smov.u32 s22;
	s3 =	smov.u32 s23;
	p1 =	sne.s32 s22, $0x3F80  }
.Ltmp6:
0x46: {  	s22 =	sadd.s32 $0x80, s22;
	(pc) =	sbr.rel @p1 .LBB2_11-.Ltmp6, $2  }
0x47: {  	_ =	sdelay $0x2  }
0x48: {  	s23 =	sadd.s32 $0x100, s23;
	s29 =	sadd.s32 s29, s0  }
0x49: {  	[tilespmem:s3], [sflag:$0x2] =	stream.linear.gather [hbm4b:s29+s4], $0x80, $0x38;
	[tilespmem:$0x12C80] =	vst v63  }
0x4a: {  	_ =	swait.ge [sflag:s15], $0x4000  }
0x4b: {  	[sflag:s15] =	ssyncset.done $0x0  }
0x4c: {  	[sflag:s15] =	ssyncadd.s32 $0xFFFFC000  }
0x4d: {  	_ =	swait.ge [sflag:s15], $0x4000  }
0x4e: {  	[sflag:s15] =	ssyncset.done $0x0  }
0x4f: {  	s0 =	simm.s32 $0x2040;
	[sflag:s15] =	ssyncadd.s32 $0xFFFFC000  }
0x50: {  	s29 =	simm.s32 $0xA040;
	v4 =	vld [tilespmem:s0+$0x30]  }
0x51: {  	v5 =	vld [tilespmem:s29+$0x30]  }
0x52: {  	v6 =	vld [tilespmem:s0+$0xFFFFFFD0]  }
0x53: {  	v8 =	vld [tilespmem:s29+$0xFFFFFFD0]  }
0x54: {  	v9 =	vld [tilespmem:s0+$0xFFFFFFE0]  }
0x55: {  	v10 =	vld [tilespmem:s29+$0xFFFFFFE0]  }
0x56: {  	v11 =	vld [tilespmem:s29+$0xFFFFFFF0]  }
0x57: {  	v13 =	vld [tilespmem:s29+$0x0]  }
0x58: {  	v4 =	vsub.f32 v4, v5;
	v5 =	vld [tilespmem:s0+$0xFFFFFFF0]  }
0x59: {  	v6 =	vsub.f32 v6, v8;
	v8 =	vld [tilespmem:s0+$0x0]  }
0x5a: {  	v9 =	vsub.f32 v9, v10;
	v10 =	vld [tilespmem:s0+$0x10]  }
0x5b: {  	v12 =	vand.u32 $0x7FFFFFFF, v4;
	v14 =	vand.u32 $0x7FFFFFFF, v6;
	vm0 =	vlt.f32 v6, $0.0e+00;
	v6 =	vld [tilespmem:s29+$0x10]  }
0x5c: {  	v7 =	vld [tilespmem:s29+$0xFFFFFFC0];
	v15 =	vand.u32 $0x7FFFFFFF, v9;
	v12 =	vmul.f32 $5.110000000e+02, v12;
	v14 =	vmul.f32 $5.110000000e+02, v14  }
0x5d: {  	vm1 =	vlt.f32 v9, $0.0e+00;
	v9 =	vld [tilespmem:s29+$0x20];
	vm3 =	vlt.f32 v4, $0.0e+00;
	v5 =	vsub.f32 v5, v11  }
0x5e: {  	v15 =	vmul.f32 $5.110000000e+02, v15;
	v12 =	vadd.f32 v1, v12;
	v11 =	vld [tilespmem:s0+$0x20];
	v14 =	vadd.f32 v1, v14  }
0x5f: {  	v16 =	vld [tilespmem:s0+$0xFFFFFFC0];
	v17 =	vand.u32 $0x7FFFFFFF, v5;
	vm2 =	vlt.f32 v5, $0.0e+00;
	v5 =	vsub.f32 v8, v13  }
0x60: {  	v63 =	vsel vm3, $0x1, v2;
	v62 =	vadd.f32 v1, v15;
	v10 =	vsub.f32 v10, v6  }
0x61: {  	v12 =	vand.u32 $0x7FFFFF, v12;
	v8 =	vmul.f32 $5.110000000e+02, v17;
	v4 =	vand.u32 $0x7FFFFFFF, v5  }
0x62: {  	vm3 =	vlt.f32 v5, $0.0e+00;
	v5 =	vand.u32 $0x7FFFFFFF, v10;
	v4 =	vmul.f32 $5.110000000e+02, v4  }
0x63: {  	vm4 =	vlt.f32 v10, $0.0e+00;
	v6 =	vadd.f32 v1, v8;
	v8 =	vsub.f32 v11, v9  }
0x64: {  	v11 =	vsub.f32 v16, v7;
	v5 =	vmul.f32 $5.110000000e+02, v5;
	v7 =	vadd.f32 v1, v4  }
0x65: {  	v4 =	vand.u32 $0x7FFFFF, v14;
	v9 =	vand.u32 $0x7FFFFFFF, v8;
	vm5 =	vlt.f32 v8, $0.0e+00  }
0x66: {  	v10 =	vand.u32 $0x7FFFFFFF, v11;
	v8 =	vadd.f32 v1, v5;
	v9 =	vmul.f32 $5.110000000e+02, v9  }
0x67: {  	s30 =	simm.s32 $0x0;
	s0 =	simm.s32 $0x2140;
	[tilespmem:v12+s4+$0x0] =	vst.idx.add.s32.msk $0xffff, v63;
	vm6 =	vlt.f32 v11, $0.0e+00;
	v5 =	vand.u32 $0x7FFFFF, v62;
	v10 =	vmul.f32 $5.110000000e+02, v10  }
.LBB2_13:
0x68: {  	v11 =	vld [tilespmem:s0+$0x30];
	v12 =	vand.u32 $0x7FFFFF, v6;
	v13 =	vand.u32 $0x7FFFFF, v7;
	v6 =	vadd.f32 v1, v9;
	s29 =	sadd.s32 $0x100, s29  }
0x69: {  	s30 =	sadd.s32 $0x80, s30;
	v14 =	vand.u32 $0x7FFFFF, v8;
	v7 =	vld [tilespmem:s29+$0x30];
	v9 =	vadd.f32 v1, v10;
	v10 =	vsel vm6, $0x1, v2  }
0x6a: {  	v15 =	vsel vm0, $0x1, v2;
	v16 =	vsel vm1, $0x1, v2;
	p1 =	slt.u32 s30, $0x3F80;
	v8 =	vld [tilespmem:s29+$0xFFFFFFC0];
	v17 =	vand.u32 $0x7FFFFF, v6  }
0x6b: {  	v18 =	vsel vm2, $0x1, v2;
	v19 =	vsel vm3, $0x1, v2;
	v6 =	vld [tilespmem:s0+$0xFFFFFFD0];
	v9 =	vand.u32 $0x7FFFFF, v9  }
0x6c: {  	v21 =	vsel vm4, $0x1, v2;
	v22 =	vsel vm5, $0x1, v2;
	v20 =	vld [tilespmem:s29+$0xFFFFFFD0]  }
0x6d: {  	v23 =	vld [tilespmem:s0+$0xFFFFFFE0]  }
0x6e: {  	v24 =	vld [tilespmem:s29+$0xFFFFFFE0];
	v7 =	vsub.f32 v11, v7  }
0x6f: {  	v11 =	vld [tilespmem:s0+$0xFFFFFFF0]  }
0x70: {  	v25 =	vld [tilespmem:s29+$0xFFFFFFF0];
	v26 =	vand.u32 $0x7FFFFFFF, v7  }
0x71: {  	v6 =	vsub.f32 v6, v20;
	v20 =	vld [tilespmem:s0+$0x0];
	v26 =	vmul.f32 $5.110000000e+02, v26  }
0x72: {  	v27 =	vld [tilespmem:s29+$0x0]  }
0x73: {  	v28 =	vand.u32 $0x7FFFFFFF, v6;
	v23 =	vsub.f32 v23, v24;
	v24 =	vld [tilespmem:s0+$0x10];
	v26 =	vadd.f32 v1, v26  }
0x74: {  	vm0 =	vlt.f32 v6, $0.0e+00;
	v28 =	vmul.f32 $5.110000000e+02, v28;
	v6 =	vld [tilespmem:s29+$0x10]  }
0x75: {  	v29 =	vand.u32 $0x7FFFFFFF, v23;
	v11 =	vsub.f32 v11, v25;
	v25 =	vld [tilespmem:s0+$0x20];
	v26 =	vand.u32 $0x7FFFFF, v26  }
0x76: {  	vm1 =	vlt.f32 v23, $0.0e+00;
	v28 =	vadd.f32 v1, v28;
	v29 =	vmul.f32 $5.110000000e+02, v29;
	v23 =	vld [tilespmem:s29+$0x20]  }
0x77: {  	v30 =	vld [tilespmem:s0+$0xFFFFFFC0];
	v31 =	vand.u32 $0x7FFFFFFF, v11;
	vm2 =	vlt.f32 v11, $0.0e+00;
	v11 =	vsub.f32 v20, v27  }
0x78: {  	vm3 =	vlt.f32 v7, $0.0e+00;
	v20 =	vadd.f32 v1, v29;
	v27 =	vmul.f32 $5.110000000e+02, v31;
	[tilespmem:v9+s4+$0x0] =	vst.idx.add.s32.msk $0xffff, v10  }
0x79: {  	v10 =	vsel vm3, $0x1, v2;
	v7 =	vand.u32 $0x7FFFFFFF, v11;
	v9 =	vsub.f32 v24, v6;
	[tilespmem:v4+s4+$0x0] =	vst.idx.add.s32.msk $0xffff, v15  }
0x7a: {  	vm3 =	vlt.f32 v11, $0.0e+00;
	v6 =	vadd.f32 v1, v27;
	v4 =	vmul.f32 $5.110000000e+02, v7;
	[tilespmem:v26+s4+$0x0] =	vst.idx.add.s32.msk $0xffff, v10  }
.Ltmp7:
0x7b: {  	v10 =	vand.u32 $0x7FFFFFFF, v9;
	vm4 =	vlt.f32 v9, $0.0e+00;
	v9 =	vsub.f32 v25, v23;
	[tilespmem:v5+s4+$0x0] =	vst.idx.add.s32.msk $0xffff, v16;
	(pc) =	sbr.rel @p1 .LBB2_13-.Ltmp7, $4  }
0x7c: {  	v5 =	vsub.f32 v30, v8;
	v7 =	vadd.f32 v1, v4;
	v8 =	vmul.f32 $5.110000000e+02, v10;
	[tilespmem:v12+s4+$0x0] =	vst.idx.add.s32.msk $0xffff, v18  }
0x7d: {  	v4 =	vand.u32 $0x7FFFFF, v28;
	v10 =	vand.u32 $0x7FFFFFFF, v9;
	vm5 =	vlt.f32 v9, $0.0e+00;
	[tilespmem:v13+s4+$0x0] =	vst.idx.add.s32.msk $0xffff, v19  }
0x7e: {  	v11 =	vand.u32 $0x7FFFFFFF, v5;
	v8 =	vadd.f32 v1, v8;
	v9 =	vmul.f32 $5.110000000e+02, v10;
	[tilespmem:v14+s4+$0x0] =	vst.idx.add.s32.msk $0xffff, v21  }
0x7f: {  	s0 =	sadd.s32 $0x100, s0;
	vm6 =	vlt.f32 v5, $0.0e+00;
	v5 =	vand.u32 $0x7FFFFF, v20;
	v10 =	vmul.f32 $5.110000000e+02, v11;
	[tilespmem:v17+s4+$0x0] =	vst.idx.add.s32.msk $0xffff, v22  }
0x80: {  	_ = 	snop  }
0x81: {  	v6 =	vand.u32 $0x7FFFFF, v6  }
0x82: {  	v7 =	vand.u32 $0x7FFFFF, v7;
	v9 =	vadd.f32 v1, v9  }
0x83: {  	v8 =	vand.u32 $0x7FFFFF, v8;
	v12 =	vsel vm0, $0x1, v2;
	v10 =	vadd.f32 v1, v10  }
0x84: {  	v63 =	vsel vm1, $0x1, v2;
	[tilespmem:v4+s4+$0x0] =	vst.idx.add.s32.msk $0xffff, v12;
	v9 =	vand.u32 $0x7FFFFF, v9  }
0x85: {  	p1 =	seq.s32 s26, $0x3;
	v4 =	vsel vm2, $0x1, v2;
	[tilespmem:v5+s4+$0x0] =	vst.idx.add.s32.msk $0xffff, v63;
	v10 =	vand.u32 $0x7FFFFF, v10  }
.Ltmp8:
0x86: {  	v5 =	vsel vm3, $0x1, v2;
	[tilespmem:v6+s4+$0x0] =	vst.idx.add.s32.msk $0xffff, v4;
	(pc) =	sbr.rel @p1 .LBB2_20-.Ltmp8, $4  }
0x87: {  	v4 =	vsel vm4, $0x1, v2;
	[tilespmem:v7+s4+$0x0] =	vst.idx.add.s32.msk $0xffff, v5  }
0x88: {  	v5 =	vsel vm5, $0x1, v2;
	[tilespmem:v8+s4+$0x0] =	vst.idx.add.s32.msk $0xffff, v4  }
0x89: {  	v11 =	vsel vm6, $0x1, v2;
	[tilespmem:v9+s4+$0x0] =	vst.idx.add.s32.msk $0xffff, v5  }
0x8a: {  	[tilespmem:v10+s4+$0x0] =	vst.idx.add.s32.msk $0xffff, v11  }
0x8b: {  	s0 =	sadd.s32 s14, s28  }
0x8c: {  	s22 =	simm.s32 $0x2000;
	s3 =	sadd.s32 s1, s0  }
0x8d: {  	s23 =	simm.s32 $0x80;
	s28 =	simm.s32 $0x2100;
	s29 =	sadd.s32 $0x0, s3  }
.LBB2_16:
0x8e: {  	[tilespmem:s22], [sflag:$0x1] =	stream.linear.gather [hbm4b:s29+s4], $0x80, $0x38;
	[tilespmem:$0x12C80] =	vst v63  }
0x8f: {  	s29 =	smov.u32 s23;
	s22 =	smov.u32 s28;
	p1 =	sne.s32 s23, $0x3F80  }
.Ltmp9:
0x90: {  	s23 =	sadd.s32 $0x80, s23;
	(pc) =	sbr.rel @p1 .LBB2_16-.Ltmp9, $2  }
0x91: {  	_ =	sdelay $0x2  }
0x92: {  	s28 =	sadd.s32 $0x100, s28;
	s29 =	sadd.s32 s29, s3  }
0x93: {  	[tilespmem:s22], [sflag:$0x1] =	stream.linear.gather [hbm4b:s29+s4], $0x80, $0x38;
	[tilespmem:$0x12C80] =	vst v63  }
0x94: {  	s0 =	sadd.s32 s2, s0;
	s3 =	simm.s32 $0xA000  }
0x95: {  	s22 =	simm.s32 $0x80;
	s23 =	simm.s32 $0xA100;
	s28 =	sadd.s32 $0x0, s0  }
.LBB2_18:
0x96: {  	[tilespmem:s3], [sflag:$0x1] =	stream.linear.gather [hbm4b:s28+s4], $0x80, $0x38;
	[tilespmem:$0x12C80] =	vst v63  }
0x97: {  	s28 =	smov.u32 s22;
	s3 =	smov.u32 s23;
	p1 =	sne.s32 s22, $0x3F80  }
.Ltmp10:
0x98: {  	s22 =	sadd.s32 $0x80, s22;
	(pc) =	sbr.rel @p1 .LBB2_18-.Ltmp10, $2  }
0x99: {  	_ =	sdelay $0x2  }
0x9a: {  	s23 =	sadd.s32 $0x100, s23;
	s28 =	sadd.s32 s28, s0  }
0x9b: {  	[tilespmem:s3], [sflag:$0x1] =	stream.linear.gather [hbm4b:s28+s4], $0x80, $0x38;
	[tilespmem:$0x12C80] =	vst v63  }
.LBB2_20:
0x9c: {  	_ =	swait.ge [sflag:s16], $0x4000  }
0x9d: {  	[sflag:s16] =	ssyncset.done $0x0  }
0x9e: {  	[sflag:s16] =	ssyncadd.s32 $0xFFFFC000  }
0x9f: {  	_ =	swait.ge [sflag:s16], $0x4000  }
0xa0: {  	[sflag:s16] =	ssyncset.done $0x0  }
0xa1: {  	s0 =	simm.s32 $0x20F0;
	[sflag:s16] =	ssyncadd.s32 $0xFFFFC000  }
0xa2: {  	s28 =	simm.s32 $0xA0F0;
	v4 =	vld [tilespmem:s0+$0x0]  }
0xa3: {  	v5 =	vld [tilespmem:s28+$0x0]  }
0xa4: {  	v6 =	vld [tilespmem:s0+$0xFFFFFFA0]  }
0xa5: {  	v8 =	vld [tilespmem:s28+$0xFFFFFFA0]  }
0xa6: {  	v9 =	vld [tilespmem:s0+$0xFFFFFFB0]  }
0xa7: {  	v10 =	vld [tilespmem:s28+$0xFFFFFFB0]  }
0xa8: {  	v11 =	vld [tilespmem:s28+$0xFFFFFFC0]  }
0xa9: {  	v13 =	vld [tilespmem:s28+$0xFFFFFFD0]  }
0xaa: {  	v4 =	vsub.f32 v4, v5;
	v5 =	vld [tilespmem:s0+$0xFFFFFFC0]  }
0xab: {  	v6 =	vsub.f32 v6, v8;
	v8 =	vld [tilespmem:s0+$0xFFFFFFD0]  }
0xac: {  	v9 =	vsub.f32 v9, v10;
	v10 =	vld [tilespmem:s0+$0xFFFFFFE0]  }
0xad: {  	v12 =	vand.u32 $0x7FFFFFFF, v4;
	v14 =	vand.u32 $0x7FFFFFFF, v6;
	vm0 =	vlt.f32 v6, $0.0e+00;
	v6 =	vld [tilespmem:s28+$0xFFFFFFE0]  }
0xae: {  	v7 =	vld [tilespmem:s28+$0xFFFFFF90];
	v15 =	vand.u32 $0x7FFFFFFF, v9;
	v12 =	vmul.f32 $5.110000000e+02, v12;
	v14 =	vmul.f32 $5.110000000e+02, v14  }
0xaf: {  	vm1 =	vlt.f32 v9, $0.0e+00;
	v9 =	vld [tilespmem:s28+$0xFFFFFFF0];
	vm3 =	vlt.f32 v4, $0.0e+00;
	v5 =	vsub.f32 v5, v11  }
0xb0: {  	v15 =	vmul.f32 $5.110000000e+02, v15;
	v12 =	vadd.f32 v1, v12;
	v11 =	vld [tilespmem:s0+$0xFFFFFFF0];
	v14 =	vadd.f32 v1, v14  }
0xb1: {  	v16 =	vld [tilespmem:s0+$0xFFFFFF90];
	v17 =	vand.u32 $0x7FFFFFFF, v5;
	vm2 =	vlt.f32 v5, $0.0e+00;
	v5 =	vsub.f32 v8, v13  }
0xb2: {  	v63 =	vsel vm3, $0x1, v2;
	v62 =	vadd.f32 v1, v15;
	v10 =	vsub.f32 v10, v6  }
0xb3: {  	v12 =	vand.u32 $0x7FFFFF, v12;
	v8 =	vmul.f32 $5.110000000e+02, v17;
	v4 =	vand.u32 $0x7FFFFFFF, v5  }
0xb4: {  	vm3 =	vlt.f32 v5, $0.0e+00;
	v5 =	vand.u32 $0x7FFFFFFF, v10;
	v4 =	vmul.f32 $5.110000000e+02, v4  }
0xb5: {  	vm4 =	vlt.f32 v10, $0.0e+00;
	v6 =	vadd.f32 v1, v8;
	v8 =	vsub.f32 v11, v9  }
0xb6: {  	v11 =	vsub.f32 v16, v7;
	v5 =	vmul.f32 $5.110000000e+02, v5;
	v7 =	vadd.f32 v1, v4  }
0xb7: {  	v4 =	vand.u32 $0x7FFFFF, v14;
	v9 =	vand.u32 $0x7FFFFFFF, v8;
	vm5 =	vlt.f32 v8, $0.0e+00  }
0xb8: {  	v10 =	vand.u32 $0x7FFFFFFF, v11;
	v8 =	vadd.f32 v1, v5;
	v9 =	vmul.f32 $5.110000000e+02, v9  }
0xb9: {  	s29 =	simm.s32 $0x0;
	s0 =	simm.s32 $0x21F0;
	[tilespmem:v12+s4+$0x0] =	vst.idx.add.s32.msk $0xffff, v63;
	vm6 =	vlt.f32 v11, $0.0e+00;
	v5 =	vand.u32 $0x7FFFFF, v62;
	v10 =	vmul.f32 $5.110000000e+02, v10  }
.LBB2_21:
0xba: {  	v11 =	vld [tilespmem:s0+$0x0];
	v12 =	vand.u32 $0x7FFFFF, v6;
	v13 =	vand.u32 $0x7FFFFF, v7;
	v6 =	vadd.f32 v1, v9;
	s28 =	sadd.s32 $0x100, s28  }
0xbb: {  	s29 =	sadd.s32 $0x80, s29;
	v14 =	vand.u32 $0x7FFFFF, v8;
	v7 =	vld [tilespmem:s28+$0x0];
	v9 =	vadd.f32 v1, v10;
	v10 =	vsel vm6, $0x1, v2  }
0xbc: {  	v15 =	vsel vm0, $0x1, v2;
	v16 =	vsel vm1, $0x1, v2;
	p1 =	slt.u32 s29, $0x3F80;
	v8 =	vld [tilespmem:s28+$0xFFFFFF90];
	v17 =	vand.u32 $0x7FFFFF, v6  }
0xbd: {  	v18 =	vsel vm2, $0x1, v2;
	v19 =	vsel vm3, $0x1, v2;
	v6 =	vld [tilespmem:s0+$0xFFFFFFA0];
	v9 =	vand.u32 $0x7FFFFF, v9  }
0xbe: {  	v21 =	vsel vm4, $0x1, v2;
	v22 =	vsel vm5, $0x1, v2;
	v20 =	vld [tilespmem:s28+$0xFFFFFFA0]  }
0xbf: {  	v23 =	vld [tilespmem:s0+$0xFFFFFFB0]  }
0xc0: {  	v24 =	vld [tilespmem:s28+$0xFFFFFFB0];
	v7 =	vsub.f32 v11, v7  }
0xc1: {  	v11 =	vld [tilespmem:s0+$0xFFFFFFC0]  }
0xc2: {  	v25 =	vld [tilespmem:s28+$0xFFFFFFC0];
	v26 =	vand.u32 $0x7FFFFFFF, v7  }
0xc3: {  	v6 =	vsub.f32 v6, v20;
	v20 =	vld [tilespmem:s0+$0xFFFFFFD0];
	v26 =	vmul.f32 $5.110000000e+02, v26  }
0xc4: {  	v27 =	vld [tilespmem:s28+$0xFFFFFFD0]  }
0xc5: {  	v28 =	vand.u32 $0x7FFFFFFF, v6;
	v23 =	vsub.f32 v23, v24;
	v24 =	vld [tilespmem:s0+$0xFFFFFFE0];
	v26 =	vadd.f32 v1, v26  }
0xc6: {  	vm0 =	vlt.f32 v6, $0.0e+00;
	v28 =	vmul.f32 $5.110000000e+02, v28;
	v6 =	vld [tilespmem:s28+$0xFFFFFFE0]  }
0xc7: {  	v29 =	vand.u32 $0x7FFFFFFF, v23;
	v11 =	vsub.f32 v11, v25;
	v25 =	vld [tilespmem:s0+$0xFFFFFFF0];
	v26 =	vand.u32 $0x7FFFFF, v26  }
0xc8: {  	vm1 =	vlt.f32 v23, $0.0e+00;
	v28 =	vadd.f32 v1, v28;
	v29 =	vmul.f32 $5.110000000e+02, v29;
	v23 =	vld [tilespmem:s28+$0xFFFFFFF0]  }
0xc9: {  	v30 =	vld [tilespmem:s0+$0xFFFFFF90];
	v31 =	vand.u32 $0x7FFFFFFF, v11;
	vm2 =	vlt.f32 v11, $0.0e+00;
	v11 =	vsub.f32 v20, v27  }
0xca: {  	vm3 =	vlt.f32 v7, $0.0e+00;
	v20 =	vadd.f32 v1, v29;
	v27 =	vmul.f32 $5.110000000e+02, v31;
	[tilespmem:v9+s4+$0x0] =	vst.idx.add.s32.msk $0xffff, v10  }
0xcb: {  	v10 =	vsel vm3, $0x1, v2;
	v7 =	vand.u32 $0x7FFFFFFF, v11;
	v9 =	vsub.f32 v24, v6;
	[tilespmem:v4+s4+$0x0] =	vst.idx.add.s32.msk $0xffff, v15  }
0xcc: {  	vm3 =	vlt.f32 v11, $0.0e+00;
	v6 =	vadd.f32 v1, v27;
	v4 =	vmul.f32 $5.110000000e+02, v7;
	[tilespmem:v26+s4+$0x0] =	vst.idx.add.s32.msk $0xffff, v10  }
.Ltmp11:
0xcd: {  	v10 =	vand.u32 $0x7FFFFFFF, v9;
	vm4 =	vlt.f32 v9, $0.0e+00;
	v9 =	vsub.f32 v25, v23;
	[tilespmem:v5+s4+$0x0] =	vst.idx.add.s32.msk $0xffff, v16;
	(pc) =	sbr.rel @p1 .LBB2_21-.Ltmp11, $4  }
0xce: {  	v5 =	vsub.f32 v30, v8;
	v7 =	vadd.f32 v1, v4;
	v8 =	vmul.f32 $5.110000000e+02, v10;
	[tilespmem:v12+s4+$0x0] =	vst.idx.add.s32.msk $0xffff, v18  }
0xcf: {  	v4 =	vand.u32 $0x7FFFFF, v28;
	v10 =	vand.u32 $0x7FFFFFFF, v9;
	vm5 =	vlt.f32 v9, $0.0e+00;
	[tilespmem:v13+s4+$0x0] =	vst.idx.add.s32.msk $0xffff, v19  }
0xd0: {  	v11 =	vand.u32 $0x7FFFFFFF, v5;
	v8 =	vadd.f32 v1, v8;
	v9 =	vmul.f32 $5.110000000e+02, v10;
	[tilespmem:v14+s4+$0x0] =	vst.idx.add.s32.msk $0xffff, v21  }
0xd1: {  	s0 =	sadd.s32 $0x100, s0;
	vm6 =	vlt.f32 v5, $0.0e+00;
	v5 =	vand.u32 $0x7FFFFF, v20;
	v10 =	vmul.f32 $5.110000000e+02, v11;
	[tilespmem:v17+s4+$0x0] =	vst.idx.add.s32.msk $0xffff, v22  }
0xd2: {  	_ = 	snop  }
0xd3: {  	v6 =	vand.u32 $0x7FFFFF, v6  }
0xd4: {  	v7 =	vand.u32 $0x7FFFFF, v7;
	v9 =	vadd.f32 v1, v9  }
0xd5: {  	v8 =	vand.u32 $0x7FFFFF, v8;
	v12 =	vsel vm0, $0x1, v2;
	v10 =	vadd.f32 v1, v10  }
0xd6: {  	v63 =	vsel vm1, $0x1, v2;
	s26 =	sadd.s32 $0x1, s26;
	[tilespmem:v4+s4+$0x0] =	vst.idx.add.s32.msk $0xffff, v12;
	v9 =	vand.u32 $0x7FFFFF, v9  }
0xd7: {  	v4 =	vsel vm2, $0x1, v2;
	[tilespmem:v5+s4+$0x0] =	vst.idx.add.s32.msk $0xffff, v63;
	p1 =	sne.s32 s26, $0x4;
	v10 =	vand.u32 $0x7FFFFF, v10  }
.Ltmp12:
0xd8: {  	v5 =	vsel vm3, $0x1, v2;
	[tilespmem:v6+s4+$0x0] =	vst.idx.add.s32.msk $0xffff, v4;
	(pc) =	sbr.rel @p1 .LBB2_8-.Ltmp12, $4  }
0xd9: {  	v4 =	vsel vm4, $0x1, v2;
	[tilespmem:v7+s4+$0x0] =	vst.idx.add.s32.msk $0xffff, v5  }
0xda: {  	v5 =	vsel vm5, $0x1, v2;
	[tilespmem:v8+s4+$0x0] =	vst.idx.add.s32.msk $0xffff, v4  }
0xdb: {  	v11 =	vsel vm6, $0x1, v2;
	[tilespmem:v9+s4+$0x0] =	vst.idx.add.s32.msk $0xffff, v5  }
0xdc: {  	[tilespmem:v10+s4+$0x0] =	vst.idx.add.s32.msk $0xffff, v11  }
0xdd: {  	s26 =	simm.s32 $0x1010;
	s28 =	simm.s32 $0x0  }
0xde: {  	v4 =	vld [tilespmem:s26+$0xFFFFEFF0];
	s0 =	sand.u32 $0x1E0, s28  }
0xdf: {  	v5 =	vld [tilespmem:s0+$0x1E00]  }
0xe0: {  	v6 =	vld [tilespmem:s0+$0x1C00]  }
0xe1: {  	v7 =	vld [tilespmem:s0+$0x1A00]  }
0xe2: {  	v8 =	vld [tilespmem:s0+$0x1800]  }
0xe3: {  	v9 =	vld [tilespmem:s0+$0x1600]  }
0xe4: {  	v10 =	vld [tilespmem:s0+$0x1400]  }
0xe5: {  	v11 =	vld [tilespmem:s0+$0x1200]  }
0xe6: {  	v12 =	vld [tilespmem:s0+$0x1000]  }
0xe7: {  	v13 =	vld [tilespmem:s0+$0xE00]  }
0xe8: {  	v14 =	vld [tilespmem:s0+$0xC00]  }
0xe9: {  	v15 =	vld [tilespmem:s0+$0xA00]  }
0xea: {  	v16 =	vld [tilespmem:s0+$0x800]  }
0xeb: {  	v17 =	vld [tilespmem:s0+$0x600]  }
0xec: {  	v19 =	vld [tilespmem:s0+$0x200];
	v18 =	vand.u32 $0x3FFF, v4  }
0xed: {  	v20 =	vld [tilespmem:s0+$0x400];
	v4 =	vshra.s32 v4, $0xE;
	v21 =	vand.u32 $0x3FFF, v6;
	v22 =	vand.u32 $0x3FFF, v5  }
0xee: {  	v23 =	vand.u32 $0x3FFF, v9;
	v24 =	vand.u32 $0x3FFF, v8;
	v25 =	vand.u32 $0x3FFF, v7  }
0xef: {  	v26 =	vand.u32 $0x3FFF, v12;
	v27 =	vand.u32 $0x3FFF, v11;
	v28 =	vand.u32 $0x3FFF, v10  }
0xf0: {  	v29 =	vand.u32 $0x3FFF, v15;
	v30 =	vand.u32 $0x3FFF, v14;
	v31 =	vand.u32 $0x3FFF, v13  }
0xf1: {  	v32 =	vand.u32 $0x3FFF, v19;
	v33 =	vand.u32 $0x3FFF, v17;
	v34 =	vand.u32 $0x3FFF, v16  }
0xf2: {  	v19 =	vshra.s32 v19, $0xE;
	v62 =	vand.u32 $0x3FFF, v20;
	v18 =	vadd.s32 v18, v32  }
0xf3: {  	v4 =	vadd.s32 v4, v19;
	v19 =	vshra.s32 v20, $0xE;
	v18 =	vadd.s32 v62, v18  }
0xf4: {  	v17 =	vshra.s32 v17, $0xE;
	v4 =	vadd.s32 v19, v4;
	v18 =	vadd.s32 v33, v18  }
0xf5: {  	v16 =	vshra.s32 v16, $0xE;
	v4 =	vadd.s32 v17, v4;
	v17 =	vadd.s32 v34, v18  }
0xf6: {  	v15 =	vshra.s32 v15, $0xE;
	v4 =	vadd.s32 v16, v4;
	v16 =	vadd.s32 v29, v17  }
0xf7: {  	v14 =	vshra.s32 v14, $0xE;
	v4 =	vadd.s32 v15, v4;
	v15 =	vadd.s32 v30, v16  }
0xf8: {  	v13 =	vshra.s32 v13, $0xE;
	v20 =	vld [tilespmem:s26+$0xFFFFF800];
	v4 =	vadd.s32 v14, v4;
	v14 =	vadd.s32 v31, v15  }
0xf9: {  	v12 =	vshra.s32 v12, $0xE;
	v19 =	vld [tilespmem:s26+$0xFFFFF600];
	v4 =	vadd.s32 v13, v4;
	v13 =	vadd.s32 v26, v14  }
0xfa: {  	v11 =	vshra.s32 v11, $0xE;
	v18 =	vld [tilespmem:s26+$0xFFFFF200];
	v4 =	vadd.s32 v12, v4;
	v12 =	vadd.s32 v27, v13  }
0xfb: {  	v10 =	vshra.s32 v10, $0xE;
	v17 =	vld [tilespmem:s26+$0xFFFFF000];
	v4 =	vadd.s32 v11, v4;
	v11 =	vadd.s32 v28, v12  }
0xfc: {  	v9 =	vshra.s32 v9, $0xE;
	v16 =	vld [tilespmem:s26+$0xFFFFFA00];
	v4 =	vadd.s32 v10, v4;
	v10 =	vadd.s32 v23, v11  }
0xfd: {  	v8 =	vshra.s32 v8, $0xE;
	v15 =	vld [tilespmem:s26+$0xFFFFFC00];
	v4 =	vadd.s32 v9, v4;
	v9 =	vadd.s32 v24, v10  }
0xfe: {  	v7 =	vshra.s32 v7, $0xE;
	v14 =	vld [tilespmem:s26+$0xFFFFF400];
	v4 =	vadd.s32 v8, v4;
	v8 =	vadd.s32 v25, v9  }
0xff: {  	v6 =	vshra.s32 v6, $0xE;
	v13 =	vld [tilespmem:s26+$0xFFFFFE00];
	v4 =	vadd.s32 v7, v4;
	v7 =	vadd.s32 v21, v8  }
0x100: {  	v5 =	vshra.s32 v5, $0xE;
	v12 =	vld [tilespmem:s26+$0x200];
	v4 =	vadd.s32 v6, v4;
	v6 =	vadd.s32 v22, v7  }
0x101: {  	v11 =	vld [tilespmem:s26+$0x0];
	v4 =	vadd.s32 v5, v4;
	v5 =	vand.u32 $0x3FFF, v17;
	v7 =	vand.u32 $0x3FFF, v18  }
0x102: {  	v10 =	vld [tilespmem:s26+$0x400];
	v6 =	vcvt.s32.f32 v6;
	v63 =	vcvt.s32.f32 v4;
	v4 =	vshra.s32 v17, $0xE  }
0x103: {  	v9 =	vld [tilespmem:s26+$0x800];
	v5 =	vadd.s32 v5, v7;
	v7 =	vshra.s32 v18, $0xE;
	v17 =	vand.u32 $0x3FFF, v14  }
0x104: {  	v8 =	vld [tilespmem:s26+$0x600];
	v14 =	vshra.s32 v14, $0xE;
	v18 =	vshra.s32 v19, $0xE;
	v4 =	vadd.s32 v4, v7  }
0x105: {  	s29 =	simm.s32 $0x12010;
	v7 =	vadd.s32 v17, v5;
	v5 =	vld [tilespmem:s26+$0xA00];
	v17 =	vand.u32 $0x3FFF, v19;
	v14 =	vadd.s32 v14, v4  }
0x106: {  	s30 =	simm.s32 $0x12210;
	v4 =	vld [tilespmem:s26+$0xC00];
	[tilespmem:s29+$0xFFFFFFF0] =	vst v6;
	v17 =	vadd.s32 v17, v7;
	v7 =	vadd.s32 v18, v14;
	v14 =	vand.u32 $0x3FFF, v20  }
0x107: {  	v6 =	vld [tilespmem:s26+$0xE00];
	[tilespmem:s30+$0xFFFFFFF0] =	vst v63;
	v18 =	vand.u32 $0x3FFF, v16;
	v14 =	vadd.s32 v14, v17;
	v17 =	vshra.s32 v20, $0xE  }
.LBB2_24:
0x108: {  	s28 =	sadd.s32 $0x20, s28;
	v7 =	vadd.s32 v17, v7;
	v14 =	vadd.s32 v18, v14;
	v16 =	vshra.s32 v16, $0xE;
	s26 =	sadd.s32 $0x20, s26  }
0x109: {  	v17 =	vand.u32 $0x3FFF, v15;
	v15 =	vshra.s32 v15, $0xE;
	v19 =	vld [tilespmem:s26+$0xFFFFEFF0];
	s0 =	sand.u32 $0x1E0, s28;
	p1 =	slt.u32 s28, $0x1E0;
	v16 =	vadd.s32 v16, v7  }
0x10a: {  	v17 =	vadd.s32 v17, v14;
	v7 =	vld [tilespmem:s0+$0x1E00];
	v15 =	vadd.s32 v15, v16;
	v16 =	vand.u32 $0x3FFF, v13  }
0x10b: {  	v18 =	vand.u32 $0x3FFF, v11;
	v13 =	vshra.s32 v13, $0xE;
	v14 =	vld [tilespmem:s0+$0x1C00];
	v16 =	vadd.s32 v16, v17  }
0x10c: {  	v11 =	vshra.s32 v11, $0xE;
	v13 =	vadd.s32 v13, v15;
	v17 =	vld [tilespmem:s0+$0x1A00];
	v15 =	vadd.s32 v18, v16  }
0x10d: {  	v11 =	vadd.s32 v11, v13;
	v13 =	vand.u32 $0x3FFF, v12;
	v12 =	vshra.s32 v12, $0xE;
	v18 =	vld [tilespmem:s0+$0x1800]  }
0x10e: {  	v13 =	vadd.s32 v13, v15;
	v11 =	vadd.s32 v12, v11;
	v12 =	vand.u32 $0x3FFF, v10;
	v20 =	vld [tilespmem:s0+$0x1600]  }
0x10f: {  	v10 =	vshra.s32 v10, $0xE;
	v12 =	vadd.s32 v12, v13;
	v13 =	vand.u32 $0x3FFF, v8;
	v21 =	vld [tilespmem:s0+$0x1400]  }
0x110: {  	v10 =	vadd.s32 v10, v11;
	v8 =	vshra.s32 v8, $0xE;
	v11 =	vadd.s32 v13, v12;
	v22 =	vld [tilespmem:s0+$0x1200]  }
0x111: {  	v8 =	vadd.s32 v8, v10;
	v10 =	vand.u32 $0x3FFF, v9;
	v9 =	vshra.s32 v9, $0xE;
	v23 =	vld [tilespmem:s0+$0x1000]  }
0x112: {  	v10 =	vadd.s32 v10, v11;
	v8 =	vadd.s32 v9, v8;
	v9 =	vand.u32 $0x3FFF, v5;
	v24 =	vld [tilespmem:s0+$0xE00]  }
0x113: {  	v5 =	vshra.s32 v5, $0xE;
	v9 =	vadd.s32 v9, v10;
	v10 =	vand.u32 $0x3FFF, v4;
	v12 =	vld [tilespmem:s0+$0xC00]  }
0x114: {  	v5 =	vadd.s32 v5, v8;
	v4 =	vshra.s32 v4, $0xE;
	v8 =	vadd.s32 v10, v9;
	v11 =	vld [tilespmem:s0+$0xA00]  }
0x115: {  	v4 =	vadd.s32 v4, v5;
	v5 =	vand.u32 $0x3FFF, v6;
	v6 =	vshra.s32 v6, $0xE;
	v9 =	vld [tilespmem:s0+$0x800]  }
0x116: {  	v5 =	vadd.s32 v5, v8;
	v4 =	vadd.s32 v6, v4;
	v10 =	vld [tilespmem:s0+$0x600]  }
0x117: {  	v6 =	vand.u32 $0x3FFF, v19;
	v5 =	vcvt.s32.f32 v5;
	v4 =	vcvt.s32.f32 v4;
	v8 =	vld [tilespmem:s0+$0x200]  }
0x118: {  	v13 =	vshra.s32 v19, $0xE;
	v25 =	vand.u32 $0x3FFF, v7;
	v19 =	vand.u32 $0x3FFF, v14;
	v15 =	vld [tilespmem:s0+$0x400]  }
0x119: {  	v28 =	vand.u32 $0x3FFF, v17;
	v27 =	vand.u32 $0x3FFF, v18;
	v26 =	vand.u32 $0x3FFF, v20;
	v29 =	vld [tilespmem:s26+$0xFFFFF000];
	[tilespmem:s29+$0x0] =	vst v5  }
0x11a: {  	v31 =	vand.u32 $0x3FFF, v21;
	v30 =	vand.u32 $0x3FFF, v22;
	v5 =	vand.u32 $0x3FFF, v23;
	v32 =	vld [tilespmem:s26+$0xFFFFF200];
	[tilespmem:s30+$0x0] =	vst v4  }
0x11b: {  	v34 =	vand.u32 $0x3FFF, v24;
	v33 =	vand.u32 $0x3FFF, v12;
	v4 =	vand.u32 $0x3FFF, v11;
	v35 =	vld [tilespmem:s26+$0xFFFFF400]  }
0x11c: {  	v37 =	vand.u32 $0x3FFF, v9;
	v36 =	vand.u32 $0x3FFF, v10;
	v16 =	vand.u32 $0x3FFF, v8;
	v38 =	vld [tilespmem:s26+$0xFFFFF600]  }
0x11d: {  	v8 =	vshra.s32 v8, $0xE;
	v6 =	vadd.s32 v6, v16;
	v16 =	vand.u32 $0x3FFF, v15;
	v39 =	vld [tilespmem:s26+$0xFFFFF800]  }
0x11e: {  	v8 =	vadd.s32 v13, v8;
	v13 =	vshra.s32 v15, $0xE;
	v6 =	vadd.s32 v16, v6;
	v16 =	vld [tilespmem:s26+$0xFFFFFA00]  }
0x11f: {  	v10 =	vshra.s32 v10, $0xE;
	v8 =	vadd.s32 v13, v8;
	v6 =	vadd.s32 v36, v6;
	v15 =	vld [tilespmem:s26+$0xFFFFFC00]  }
0x120: {  	v9 =	vshra.s32 v9, $0xE;
	v8 =	vadd.s32 v10, v8;
	v6 =	vadd.s32 v37, v6;
	v13 =	vld [tilespmem:s26+$0xFFFFFE00]  }
0x121: {  	v8 =	vadd.s32 v9, v8;
	v4 =	vadd.s32 v4, v6;
	v6 =	vshra.s32 v11, $0xE;
	v11 =	vld [tilespmem:s26+$0x0]  }
0x122: {  	v6 =	vadd.s32 v6, v8;
	v4 =	vadd.s32 v33, v4;
	v8 =	vshra.s32 v12, $0xE;
	v12 =	vld [tilespmem:s26+$0x200]  }
0x123: {  	v6 =	vadd.s32 v8, v6;
	v4 =	vadd.s32 v34, v4;
	v8 =	vshra.s32 v24, $0xE;
	v10 =	vld [tilespmem:s26+$0x400]  }
0x124: {  	v6 =	vadd.s32 v8, v6;
	v4 =	vadd.s32 v5, v4;
	v5 =	vshra.s32 v23, $0xE;
	v8 =	vld [tilespmem:s26+$0x600]  }
0x125: {  	v5 =	vadd.s32 v5, v6;
	v4 =	vadd.s32 v30, v4;
	v6 =	vshra.s32 v22, $0xE;
	v9 =	vld [tilespmem:s26+$0x800]  }
0x126: {  	v21 =	vshra.s32 v21, $0xE;
	v6 =	vadd.s32 v6, v5;
	v4 =	vadd.s32 v31, v4;
	v5 =	vld [tilespmem:s26+$0xA00]  }
0x127: {  	v20 =	vshra.s32 v20, $0xE;
	v6 =	vadd.s32 v21, v6;
	v21 =	vadd.s32 v26, v4;
	v4 =	vld [tilespmem:s26+$0xC00]  }
0x128: {  	v18 =	vshra.s32 v18, $0xE;
	v20 =	vadd.s32 v20, v6;
	v21 =	vadd.s32 v27, v21;
	v6 =	vld [tilespmem:s26+$0xE00]  }
0x129: {  	v17 =	vshra.s32 v17, $0xE;
	v18 =	vadd.s32 v18, v20;
	v20 =	vadd.s32 v28, v21  }
0x12a: {  	v14 =	vshra.s32 v14, $0xE;
	v17 =	vadd.s32 v17, v18;
	v18 =	vadd.s32 v19, v20  }
0x12b: {  	v7 =	vshra.s32 v7, $0xE;
	v14 =	vadd.s32 v14, v17;
	v17 =	vadd.s32 v25, v18  }
0x12c: {  	v7 =	vadd.s32 v7, v14;
	v14 =	vcvt.s32.f32 v17;
	v17 =	vand.u32 $0x3FFF, v29  }
0x12d: {  	s29 =	sadd.s32 $0x20, s29;
	v19 =	vand.u32 $0x3FFF, v32;
	v18 =	vshra.s32 v29, $0xE;
	v7 =	vcvt.s32.f32 v7  }
.Ltmp13:
0x12e: {  	s30 =	sadd.s32 $0x20, s30;
	[tilespmem:s29+$0xFFFFFFF0] =	vst v14;
	v14 =	vadd.s32 v17, v19;
	v17 =	vshra.s32 v32, $0xE;
	v19 =	vand.u32 $0x3FFF, v35;
	(pc) =	sbr.rel @p1 .LBB2_24-.Ltmp13, $4  }
0x12f: {  	[tilespmem:s30+$0xFFFFFFF0] =	vst v7;
	v7 =	vadd.s32 v18, v17;
	v14 =	vadd.s32 v19, v14;
	v17 =	vshra.s32 v35, $0xE  }
0x130: {  	v18 =	vshra.s32 v38, $0xE;
	v7 =	vadd.s32 v17, v7;
	v17 =	vand.u32 $0x3FFF, v38  }
0x131: {  	v14 =	vadd.s32 v17, v14;
	v7 =	vadd.s32 v18, v7;
	v17 =	vand.u32 $0x3FFF, v39  }
0x132: {  	v18 =	vand.u32 $0x3FFF, v16;
	v14 =	vadd.s32 v17, v14;
	v17 =	vshra.s32 v39, $0xE  }
0x133: {  	v7 =	vadd.s32 v17, v7  }
0x134: {  	v14 =	vadd.s32 v18, v14;
	v16 =	vshra.s32 v16, $0xE;
	v41 =	vand.u32 $0x3FFF, v15  }
0x135: {  	v42 =	vshra.s32 v15, $0xE;
	v43 =	vand.u32 $0x3FFF, v13;
	v44 =	vshra.s32 v13, $0xE  }
0x136: {  	v45 =	vand.u32 $0x3FFF, v11;
	v47 =	vshra.s32 v11, $0xE;
	v48 =	vand.u32 $0x3FFF, v12  }
0x137: {  	v49 =	vshra.s32 v12, $0xE;
	v51 =	vand.u32 $0x3FFF, v10;
	v52 =	vshra.s32 v10, $0xE  }
0x138: {  	v53 =	vand.u32 $0x3FFF, v8;
	v7 =	vadd.s32 v16, v7;
	v14 =	vadd.s32 v41, v14  }
0x139: {  	v55 =	vshra.s32 v8, $0xE;
	v7 =	vadd.s32 v42, v7;
	v14 =	vadd.s32 v43, v14  }
0x13a: {  	v56 =	vand.u32 $0x3FFF, v9;
	v7 =	vadd.s32 v44, v7;
	v46 =	vadd.s32 v45, v14  }
0x13b: {  	v57 =	vshra.s32 v9, $0xE;
	v7 =	vadd.s32 v47, v7;
	v50 =	vadd.s32 v48, v46  }
0x13c: {  	v59 =	vand.u32 $0x3FFF, v5;
	v7 =	vadd.s32 v49, v7;
	v11 =	vadd.s32 v51, v50  }
0x13d: {  	v5 =	vshra.s32 v5, $0xE;
	v7 =	vadd.s32 v52, v7;
	v54 =	vadd.s32 v53, v11  }
0x13e: {  	v60 =	vand.u32 $0x3FFF, v4;
	v7 =	vadd.s32 v55, v7;
	v58 =	vadd.s32 v56, v54  }
0x13f: {  	v4 =	vshra.s32 v4, $0xE;
	v7 =	vadd.s32 v57, v7;
	v8 =	vadd.s32 v59, v58  }
0x140: {  	v62 =	vand.u32 $0x3FFF, v6;
	v5 =	vadd.s32 v5, v7;
	v61 =	vadd.s32 v60, v8  }
0x141: {  	v4 =	vadd.s32 v4, v5;
	v5 =	vshra.s32 v6, $0xE;
	v63 =	vadd.s32 v62, v61  }
0x142: {  	v4 =	vadd.s32 v5, v4;
	v5 =	vcvt.s32.f32 v63  }
0x143: {  	v4 =	vcvt.s32.f32 v4  }
0x144: {  	[tilespmem:s29+$0x0] =	vst v5  }
0x145: {  	[tilespmem:s30+$0x0] =	vst v4  }
0x146: {  	[spmem:s6] =	stream.strided.scatter [tilespmem:s19], [sflag:$0x3], $0x200, s18, s17, $0x38;
	[tilespmem:$0x12C80] =	vst v63  }
0x147: {  	_ =	swait.ge [sflag:s20], $0x200  }
0x148: {  	[sflag:s20] =	ssyncset.done $0x0  }
0x149: {  	[sflag:s20] =	ssyncadd.s32 $0xFFFFFE00  }
0x14a: {  	[spmem:s8] =	stream.strided.scatter [tilespmem:s21], [sflag:$0x3], $0x200, s18, s17, $0x38;
	[tilespmem:$0x12C80] =	vst v63  }
.Ltmp14:
0x14b: {  	_ =	swait.ge [sflag:s20], $0x200;
	(pc) =	sbr.rel @p0 .LBB2_33-.Ltmp14, $3  }
0x14c: {  	[sflag:s20] =	ssyncset.done $0x0  }
0x14d: {  	[sflag:s20] =	ssyncadd.s32 $0xFFFFFE00  }
0x14e: {  	[bflag:$0x0] =	sbarrier.arrive $0xFFFF;
	_ =	sdelay $0x1  }
0x14f: {  	s0 =	simm.s32 $0x12400  }
0x150: {  	[tilespmem:s0], [sflag:$0x3] =	stream.strided.gather [spmem:s9], $0x200, s18, s17, $0x38;
	[tilespmem:$0x12C80] =	vst v63  }
0x151: {  	_ =	swait.ge [sflag:s20], $0x200  }
0x152: {  	[sflag:s20] =	ssyncset.done $0x0  }
0x153: {  	s23 =	simm.s32 $0x12600;
	[sflag:s20] =	ssyncadd.s32 $0xFFFFFE00  }
0x154: {  	[tilespmem:s23], [sflag:$0x3] =	stream.strided.gather [spmem:s10], $0x200, s18, s17, $0x38;
	[tilespmem:$0x12C80] =	vst v63  }
0x155: {  	_ =	swait.ge [sflag:s20], $0x200  }
0x156: {  	[sflag:s20] =	ssyncset.done $0x0  }
0x157: {  	s3 =	simm.s32 $0x12010;
	[sflag:s20] =	ssyncadd.s32 $0xFFFFFE00  }
0x158: {  	s22 =	simm.s32 $0x12410;
	v4 =	vld [tilespmem:s3+$0xFFFFFFF0]  }
0x159: {  	s0 =	simm.s32 $0x12210;
	v5 =	vld [tilespmem:s22+$0xFFFFFFF0]  }
0x15a: {  	s23 =	simm.s32 $0x12610;
	v6 =	vld [tilespmem:s0+$0xFFFFFFF0]  }
0x15b: {  	v7 =	vld [tilespmem:s23+$0xFFFFFFF0]  }
0x15c: {  	v8 =	vld [tilespmem:s3+$0x0]  }
0x15d: {  	v9 =	vld [tilespmem:s22+$0x0]  }
0x15e: {  	v10 =	vld [tilespmem:s0+$0x0]  }
0x15f: {  	v11 =	vld [tilespmem:s23+$0x0]  }
0x160: {  	v4 =	vadd.f32 v5, v4  }
0x161: {  	v5 =	vadd.f32 v7, v6  }
0x162: {  	v6 =	vadd.f32 v9, v8;
	(xrf2) =	vadd.scan.msk.f32 $0xffff, v4  }
0x163: {  	(xrf2) =	vadd.scan.msk.f32 $0xffff, v5  }
0x164: {  	v7 =	vadd.f32 v11, v10;
	(xrf2) =	vadd.scan.msk.f32 $0xffff, v6;
	_ =	sdelay $0x1  }
0x165: {  	s24 =	simm.s32 $0x12430;
	(xrf2) =	vadd.scan.msk.f32 $0xffff, v7  }
0x166: {  	s23 =	simm.s32 $0x12030;
	v13 =	vld [tilespmem:s24+$0x0]  }
0x167: {  	v8 =	vld [tilespmem:s23+$0xFFFFFFF0]  }
0x168: {  	s29 =	simm.s32 $0x12230;
	v9 =	vld [tilespmem:s24+$0xFFFFFFF0]  }
0x169: {  	s26 =	simm.s32 $0x12630;
	v10 =	vld [tilespmem:s29+$0xFFFFFFF0]  }
0x16a: {  	v11 =	vld [tilespmem:s26+$0xFFFFFFF0]  }
0x16b: {  	v12 =	vld [tilespmem:s23+$0x0];
	v15, _, _ =	vpop (xrf2)  }
0x16c: {  	v14 =	vld [tilespmem:s29+$0x0];
	v17, _, _ =	vpop (xrf2);
	(v2sf) =	vpush v15, $0xF  }
0x16d: {  	v16 =	vld [tilespmem:s26+$0x0];
	v56, _, _ =	vpop (xrf2);
	(v2sf) =	vpush v17, $0xF  }
0x16e: {  	v8 =	vadd.f32 v9, v8;
	(v2sf) =	vpush v56, $0xF  }
0x16f: {  	s19 =	simm.s32 $0x12450;
	v10 =	vadd.f32 v11, v10;
	v58, _, _ =	vpop (xrf2)  }
0x170: {  	v19 =	vld [tilespmem:s19+$0xFFFFFFF0];
	s22 =	simm.s32 $0x12250;
	v11 =	vadd.f32 v13, v12;
	(xrf2) =	vadd.scan.msk.f32 $0xffff, v8;
	(v2sf) =	vpush v58, $0xF  }
0x171: {  	s28 =	simm.s32 $0x12650;
	v57 =	vld [tilespmem:s22+$0xFFFFFFF0];
	(xrf2) =	vadd.scan.msk.f32 $0xffff, v10  }
0x172: {  	s24 =	simm.s32 $0x12050;
	v59 =	vadd.f32 v16, v14;
	v9 =	vld [tilespmem:s28+$0xFFFFFFF0];
	(xrf2) =	vadd.scan.msk.f32 $0xffff, v11  }
0x173: {  	v18 =	vld [tilespmem:s24+$0xFFFFFFF0]  }
0x174: {  	v61 =	vld [tilespmem:s19+$0x0];
	(xrf2) =	vadd.scan.msk.f32 $0xffff, v59  }
0x175: {  	v60 =	vld [tilespmem:s24+$0x0];
	[tilespmem:s3+$0xFFFFFFF0] =	vst v4  }
0x176: {  	[tilespmem:s3+$0x0] =	vst v6;
	v6 =	vld [tilespmem:s28+$0x0]  }
0x177: {  	s26 =	simm.s32 $0x12070;
	[tilespmem:s0+$0xFFFFFFF0] =	vst v5;
	v5 =	vadd.f32 v9, v57;
	v9 =	vld [tilespmem:s22+$0x0]  }
0x178: {  	[tilespmem:s0+$0x0] =	vst v7;
	v7 =	vld [tilespmem:s26+$0xFFFFFFF0];
	s28 =	simm.s32 $0x12470;
	v4 =	vadd.f32 v19, v18  }
0x179: {  	[tilespmem:s23+$0xFFFFFFF0] =	vst v8;
	v8 =	vld [tilespmem:s28+$0xFFFFFFF0]  }
0x17a: {  	[tilespmem:s24+$0xFFFFFFF0] =	vst v4;
	(xrf2) =	vadd.scan.msk.f32 $0xffff, v4;
	v4 =	vadd.f32 v61, v60;
	v62, _, _ =	vpop (xrf2)  }
0x17b: {  	s19 =	simm.s32 $0x0;
	[tilespmem:s23+$0x0] =	vst v11;
	(xrf2) =	vadd.scan.msk.f32 $0xffff, v5;
	v63, _, _ =	vpop (xrf2);
	s23 =	spop (v2sf);
	(v2sf) =	vpush v62, $0xF  }
0x17c: {  	s30 =	simm.s32 $0x12270;
	[tilespmem:s22+$0xFFFFFFF0] =	vst v5;
	v5 =	vadd.f32 v6, v9;
	(xrf2) =	vadd.scan.msk.f32 $0xffff, v4;
	v9, _, _ =	vpop (xrf2);
	[smem:s19] =	sst s23;
	s19 =	spop (v2sf);
	(v2sf) =	vpush v63, $0xF  }
0x17d: {  	s31 =	simm.s32 $0x12670;
	[tilespmem:s29+$0xFFFFFFF0] =	vst v10;
	v10 =	vld [tilespmem:s30+$0xFFFFFFF0];
	s23 =	spop (v2sf);
	(v2sf) =	vpush v9, $0xF  }
0x17e: {  	v11 =	vld [tilespmem:s31+$0xFFFFFFF0];
	v7 =	vadd.f32 v8, v7;
	v8, _, _ =	vpop (xrf2)  }
0x17f: {  	[tilespmem:s24+$0x0] =	vst v4;
	(xrf2) =	vadd.scan.msk.f32 $0xffff, v5;
	s24 =	spop (v2sf);
	(v2sf) =	vpush v8, $0xF  }
0x180: {  	v6 =	vld [tilespmem:s28+$0x0]  }
0x181: {  	v4 =	vld [tilespmem:s26+$0x0]  }
0x182: {  	s3 =	simm.s32 $0x80;
	[tilespmem:s29+$0x0] =	vst v59;
	(xrf2) =	vadd.scan.msk.f32 $0xffff, v7  }
0x183: {  	s29 =	simm.s32 $0x1;
	v10 =	vadd.f32 v11, v10;
	[tilespmem:s26+$0xFFFFFFF0] =	vst v7;
	v7 =	vld [tilespmem:s30+$0x0];
	[smem:s3] =	sst s19  }
0x184: {  	s0 =	simm.s32 $0x81;
	[tilespmem:s22+$0x0] =	vst v5;
	s22 =	simm.s32 $0x6;
	v5, _, _ =	vpop (xrf2);
	v9 =	vld [tilespmem:s31+$0x0];
	[smem:s29] =	sst s23  }
0x185: {  	[tilespmem:s30+$0xFFFFFFF0] =	vst v10;
	(xrf2) =	vadd.scan.msk.f32 $0xffff, v10;
	s3 =	simm.s32 $0x12270;
	v8, _, _ =	vpop (xrf2);
	s23 =	simm.s32 $0x12090;
	[smem:s0] =	sst s24  }
.LBB2_27:
0x186: {  	v10 =	vld [tilespmem:s23+$0xFFFFFFF0];
	v4 =	vadd.f32 v6, v4;
	s28 =	sadd.s32 $0x20, s28;
	v6, _, _ =	vpop (xrf2)  }
0x187: {  	v11 =	vld [tilespmem:s28+$0xFFFFFFF0];
	(v2sf) =	vpush v5, $0xF  }
0x188: {  	s30 =	sadd.s32 $0x20, s30;
	[tilespmem:s26+$0x0] =	vst v4;
	(xrf2) =	vadd.scan.msk.f32 $0xffff, v4;
	(v2sf) =	vpush v8, $0xF;
	s26 =	smov.u32 s23  }
0x189: {  	s31 =	sadd.s32 $0x20, s31;
	s29 =	sadd.s32 $0x2, s29;
	s0 =	sadd.s32 $0x2, s0;
	v8 =	vld [tilespmem:s30+$0xFFFFFFF0];
	v4 =	vadd.f32 v9, v7;
	(v2sf) =	vpush v6, $0xF;
	v5, _, _ =	vpop (xrf2)  }
0x18a: {  	s22 =	sadd.s32 $0x2, s22;
	s24 =	sadd.s32 $0xFFFFFFFF, s29;
	v7 =	vld [tilespmem:s31+$0xFFFFFFF0];
	(v2sf) =	vpush v5, $0xF;
	s19 =	spop (v2sf)  }
0x18b: {  	[tilespmem:s3+$0x0] =	vst v4;
	(xrf2) =	vadd.scan.msk.f32 $0xffff, v4;
	[smem:s24] =	sst s19;
	s3 =	sadd.s32 $0xFFFFFFFF, s0;
	s19 =	spop (v2sf)  }
0x18c: {  	v9 =	vadd.f32 v11, v10;
	v4 =	vld [tilespmem:s23+$0x0];
	v5, _, _ =	vpop (xrf2);
	[smem:s3] =	sst s19;
	s19 =	spop (v2sf);
	s3 =	smov.u32 s30  }
0x18d: {  	p1 =	slt.u32 s22, $0x1E;
	[smem:s29] =	sst s19  }
.Ltmp15:
0x18e: {  	v6 =	vld [tilespmem:s28+$0x0];
	s19 =	spop (v2sf);
	(pc) =	sbr.rel @p1 .LBB2_27-.Ltmp15, $4  }
0x18f: {  	[tilespmem:s23+$0xFFFFFFF0] =	vst v9;
	(xrf2) =	vadd.scan.msk.f32 $0xffff, v9;
	[smem:s0] =	sst s19  }
0x190: {  	v10 =	vadd.f32 v7, v8;
	v7 =	vld [tilespmem:s30+$0x0];
	v8, _, _ =	vpop (xrf2)  }
0x191: {  	v9 =	vld [tilespmem:s31+$0x0]  }
0x192: {  	s23 =	sadd.s32 $0x20, s23;
	[tilespmem:s30+$0xFFFFFFF0] =	vst v10;
	(xrf2) =	vadd.scan.msk.f32 $0xffff, v10  }
0x193: {  	_ =	sdelay $0x1  }
0x194: {  	v4 =	vadd.f32 v6, v4  }
0x195: {  	v61 =	vadd.f32 v9, v7  }
0x196: {  	(xrf2) =	vadd.scan.msk.f32 $0xffff, v4  }
0x197: {  	(xrf2) =	vadd.scan.msk.f32 $0xffff, v61;
	_ =	sdelay $0x2  }
0x198: {  	(v2sf) =	vpush v5, $0xF  }
0x199: {  	v5, _, _ =	vpop (xrf2);
	(v2sf) =	vpush v8, $0xF  }
0x19a: {  	v62, _, _ =	vpop (xrf2);
	(v2sf) =	vpush v5, $0xF  }
0x19b: {  	(v2sf) =	vpush v62, $0xF  }
0x19c: {  	v5, _, _ =	vpop (xrf2)  }
0x19d: {  	(v2sf) =	vpush v5, $0xF;
	v63, _, _ =	vpop (xrf2)  }
0x19e: {  	(v2sf) =	vpush v63, $0xF;
	v5, _, _ =	vpop (xrf2)  }
0x19f: {  	(v2sf) =	vpush v5, $0xF;
	v5, _, _ =	vpop (xrf2)  }
0x1a0: {  	(v2sf) =	vpush v5, $0xF  }
0x1a1: {  	s19 =	sadd.s32 $0x2, s29  }
0x1a2: {  	s0 =	sadd.s32 $0x2, s0;
	s23 =	sadd.s32 $0xFFFFFFFF, s19;
	s22 =	spop (v2sf)  }
0x1a3: {  	s29 =	sadd.s32 $0xFFFFFFFF, s0;
	[smem:s23] =	sst s22;
	s28 =	spop (v2sf)  }
0x1a4: {  	[smem:s29] =	sst s28;
	s30 =	spop (v2sf)  }
0x1a5: {  	s31 =	spop (v2sf);
	[smem:s19] =	sst s30  }
0x1a6: {  	s19 =	sadd.s32 $0x2, s19;
	[smem:s0] =	sst s31  }
0x1a7: {  	s24 =	sadd.s32 $0xFFFFFFFF, s19;
	s0 =	sadd.s32 $0x2, s0;
	s28 =	spop (v2sf)  }
0x1a8: {  	s29 =	sadd.s32 $0xFFFFFFFF, s0;
	[smem:s24] =	sst s28;
	s30 =	spop (v2sf)  }
0x1a9: {  	p1 =	por $0x1, $0x1;
	[smem:s29] =	sst s30;
	s31 =	spop (v2sf)  }
0x1aa: {  	[smem:s19] =	sst s31;
	s23 =	spop (v2sf);
	s19 =	sadd.s32 $0x2, s19  }
0x1ab: {  	[tilespmem:s26+$0x0] =	vst v4;
	s22 =	simm.f32 $0.0e+00;
	[smem:s0] =	sst s23;
	s24 =	sadd.s32 $0xFFFFFFFF, s19  }
.Ltmp16:
0x1ac: {  	[tilespmem:s3+$0x0] =	vst v61;
	s0 =	sadd.s32 $0x2, s0;
	s26 =	spop (v2sf);
	(pc) =	sbr.rel @!p1 .LBB2_30-.Ltmp16, $4  }
0x1ad: {  	s28 =	sadd.s32 $0xFFFFFFFF, s0;
	[smem:s24] =	sst s26;
	s29 =	spop (v2sf)  }
0x1ae: {  	s3 =	simm.s32 $0x1F;
	[smem:s28] =	sst s29;
	s30 =	spop (v2sf)  }
0x1af: {  	s23 =	simm.s32 $0x78;
	[smem:s19] =	sst s30;
	s31 =	spop (v2sf)  }
0x1b0: {  	s26 =	simm.s32 $0x11F;
	[smem:s0] =	sst s31;
	s0 =	simm.f32 $0.0e+00  }
.LBB2_29:
0x1b1: {  	p1 =	sne.s32 s23, $0x0;
	[smem:s26] =	sst s22;
	s19 =	sadd.s32 $0x180, s3  }
0x1b2: {  	[smem:s19] =	sst s0  }
.Ltmp17:
0x1b3: {  	s19 =	sld [smem:s3+$0x0];
	(pc) =	sbr.rel @p1 .LBB2_29-.Ltmp17, $3  }
0x1b4: {  	s24 =	sld [smem:s3+$0x80];
	_ =	sdelay $0x1  }
0x1b5: {  	s3 =	sshra.s32 s23, $0x2;
	s22 =	sadd.f32 s19, s22  }
0x1b6: {  	s23 =	sadd.s32 $0xFFFFFFFC, s23;
	s26 =	sadd.s32 $0x100, s3;
	s0 =	sadd.f32 s24, s0  }
.LBB2_30:
0x1b7: {  	s19 =	simm.s32 $0x12210  }
0x1b8: {  	v4 =	vld [tilespmem:s19+$0xFFFFFFF0];
	_ =	sdelay $0x4  }
0x1b9: {  	v5 =	vld [tilespmem:s19+$0x0];
	v4 =	vperm.xlane v4, v3;
	_ =	sdelay $0x1  }
0x1ba: {  	(xrf2) =	vadd.scan.msk.f32 $0xffff, v4  }
0x1bb: {  	s23 =	simm.s32 $0x12010  }
0x1bc: {  	v4 =	vld [tilespmem:s23+$0xFFFFFFF0]  }
0x1bd: {  	v5 =	vperm.xlane v5, v3  }
0x1be: {  	s24 =	simm.s32 $0x12230;
	[smem:s26] =	sst s22;
	s30 =	sadd.s32 $0x180, s3  }
0x1bf: {  	v6 =	vld [tilespmem:s24+$0xFFFFFFF0];
	[smem:s30] =	sst s0;
	(xrf2) =	vadd.scan.msk.f32 $0xffff, v5  }
0x1c0: {  	s31 =	sld [smem:s3+$0x80]  }
0x1c1: {  	v4 =	vperm.xlane v4, v3  }
0x1c2: {  	v5 =	vld [tilespmem:s23+$0x0]  }
0x1c3: {  	s22 =	sadd.f32 s31, s0;
	(xrf2) =	vadd.scan.msk.f32 $0xffff, v4  }
0x1c4: {  	v7 =	vld [tilespmem:s24+$0x0];
	v4 =	vperm.xlane v6, v3;
	s19 =	sld [smem:$0x180];
	v6, _, _ =	vpop (xrf2)  }
0x1c5: {  	s23 =	simm.s32 $0x12030;
	v6 =	vperm.xlane v6, v3  }
0x1c6: {  	s0 =	ssub.f32 $2.621440000e+05, s22;
	v8 =	vld [tilespmem:s23+$0xFFFFFFF0];
	(xrf2) =	vadd.scan.msk.f32 $0xffff, v4  }
0x1c7: {  	v5 =	vperm.xlane v5, v3;
	v6 =	vadd.f32 s19, v6  }
0x1c8: {  	s24 =	simm.s32 $0x12250;
	v4 =	vmov s0  }
0x1c9: {  	v9 =	vld [tilespmem:s24+$0xFFFFFFF0];
	s26 =	sld [smem:$0x181];
	(xrf2) =	vadd.scan.msk.f32 $0xffff, v5;
	v5 =	vadd.f32 v6, v4;
	v6 =	vperm.xlane v7, v3;
	v7, _, _ =	vpop (xrf2)  }
0x1ca: {  	v7 =	vperm.xlane v7, v3  }
0x1cb: {  	(erf) = vrcp.f32 v5;
	v5 =	vperm.xlane v8, v3  }
0x1cc: {  	(xrf2) =	vadd.scan.msk.f32 $0xffff, v6  }
0x1cd: {  	(xrf2) =	vadd.scan.msk.f32 $0xffff, v5;
	v5 =	vadd.f32 s26, v7  }
0x1ce: {  	v11 =	vld [tilespmem:s23+$0x0];
	v6, _, _ =	vpop (xrf2)  }
0x1cf: {  	v8 =	vld [tilespmem:s24+$0x0];
	s30 =	sld [smem:$0x100];
	v5 =	vadd.f32 v5, v4  }
0x1d0: {  	v7 =	vperm.xlane v9, v3;
	v6 =	vperm.xlane v6, v3;
	s31 =	sld [smem:$0x182];
	v9, _, _ =	vpop (xrf2)  }
0x1d1: {  	v10 =	vperm.xlane v9, v3;
	(erf) = vrcp.f32 v5  }
0x1d2: {  	(xrf2) =	vadd.scan.msk.f32 $0xffff, v7  }
0x1d3: {  	s0 =	simm.s32 $0x12050;
	v11 =	vperm.xlane v11, v3;
	v12, _, _ =	vpop (xrf2);
	v5 =	vadd.f32 s31, v10  }
0x1d4: {  	s28 =	simm.s32 $0x12270;
	v9 =	vld [tilespmem:s0+$0xFFFFFFF0];
	v13 =	vadd.f32 s30, v6;
	s3 =	sld [smem:$0x101];
	v6 =	vpop (erf)  }
0x1d5: {  	v8 =	vperm.xlane v8, v3;
	v10 =	vld [tilespmem:s28+$0xFFFFFFF0];
	v14 =	vadd.f32 v5, v4;
	s23 =	sld [smem:$0x183];
	(xrf2) =	vadd.scan.msk.f32 $0xffff, v11  }
0x1d6: {  	vm0 =	vgt.f32 v13, $0.0e+00;
	v7 =	vmul.f32 v6, v13;
	v15, _, _ =	vpop (xrf2);
	v6 =	vperm.xlane v12, v3  }
0x1d7: {  	s29 =	simm.s32 $0x183;
	s22 =	simm.s32 $0x6;
	s26 =	simm.s32 $0x101;
	v5 =	vimm.f32 $0.0e+00;
	v11 =	vld [tilespmem:s28+$0x0];
	v12 =	vperm.xlane v15, v3;
	(erf) = vrcp.f32 v14  }
.LBB2_31:
0x1d8: {  	s22 =	sadd.s32 $0x2, s22;
	(xrf2) =	vadd.scan.msk.f32 $0xffff, v8;
	v14 =	vnsel vm0, $0x0, v7;
	v6 =	vadd.f32 s3, v6;
	s26 =	sadd.s32 $0x2, s26  }
0x1d9: {  	s29 =	sadd.s32 $0x2, s29;
	p1 =	slt.u32 s22, $0x1E;
	v8 =	vperm.xlane v9, v3;
	v9 =	vadd.f32 s23, v12;
	v12, _, _ =	vpop (xrf2)  }
0x1da: {  	v5 =	vadd.f32 v14, v5;
	v10 =	vperm.xlane v10, v3;
	v13 =	vld [tilespmem:s0+$0x0];
	v7 =	vpop (erf)  }
0x1db: {  	v12 =	vperm.xlane v12, v3;
	(xrf2) =	vadd.scan.msk.f32 $0xffff, v8;
	s3 =	sld [smem:s26+$0xFFFFFFFF];
	v9 =	vadd.f32 v9, v4;
	v7 =	vmul.f32 v7, v6  }
0x1dc: {  	vm0 =	vgt.f32 v6, $0.0e+00;
	v8 =	vperm.xlane v11, v3;
	s19 =	sld [smem:s29+$0xFFFFFFFF];
	v11, _, _ =	vpop (xrf2)  }
0x1dd: {  	v6 =	vperm.xlane v11, v3;
	(erf) = vrcp.f32 v9;
	v7 =	vnsel vm0, $0x0, v7  }
0x1de: {  	(xrf2) =	vadd.scan.msk.f32 $0xffff, v10;
	v5 =	vadd.f32 v7, v5  }
.Ltmp18:
0x1df: {  	s0 =	sadd.s32 $0x20, s0;
	v11 =	vadd.f32 s3, v12;
	v6 =	vadd.f32 s19, v6;
	v7 =	vperm.xlane v13, v3;
	v12, _, _ =	vpop (xrf2);
	(pc) =	sbr.rel @p1 .LBB2_31-.Ltmp18, $4  }
0x1e0: {  	s28 =	sadd.s32 $0x20, s28;
	v9 =	vld [tilespmem:s0+$0xFFFFFFF0];
	s3 =	sld [smem:s26+$0x0];
	v13 =	vpop (erf)  }
0x1e1: {  	v10 =	vld [tilespmem:s28+$0xFFFFFFF0];
	v14 =	vadd.f32 v6, v4;
	s23 =	sld [smem:s29+$0x0];
	(xrf2) =	vadd.scan.msk.f32 $0xffff, v7;
	v7 =	vmul.f32 v13, v11  }
0x1e2: {  	vm0 =	vgt.f32 v11, $0.0e+00;
	v6 =	vperm.xlane v12, v3;
	v13, _, _ =	vpop (xrf2)  }
0x1e3: {  	v11 =	vld [tilespmem:s28+$0x0];
	v12 =	vperm.xlane v13, v3;
	(erf) = vrcp.f32 v14  }
0x1e4: {  	v13 =	vld [tilespmem:s0+$0x0];
	_ =	sdelay $0x2  }
0x1e5: {  	v32 =	vperm.xlane v9, v3  }
0x1e6: {  	(xrf2) =	vadd.scan.msk.f32 $0xffff, v8;
	v33 =	vperm.xlane v10, v3  }
0x1e7: {  	(xrf2) =	vadd.scan.msk.f32 $0xffff, v32;
	v34 =	vperm.xlane v13, v3  }
0x1e8: {  	v35 =	vperm.xlane v11, v3;
	(xrf2) =	vadd.scan.msk.f32 $0xffff, v33  }
0x1e9: {  	(xrf2) =	vadd.scan.msk.f32 $0xffff, v34  }
0x1ea: {  	(xrf2) =	vadd.scan.msk.f32 $0xffff, v35  }
0x1eb: {  	s19 =	sadd.s32 $0x2, s29;
	s31 =	sadd.s32 $0x20, s0;
	v36, _, _ =	vpop (xrf2)  }
0x1ec: {  	s22 =	sld [smem:s19+$0xFFFFFFFF];
	v39 =	vld [tilespmem:s31+$0xFFFFFFF0];
	v37, _, _ =	vpop (xrf2)  }
0x1ed: {  	v14 =	vld [tilespmem:s31+$0x0];
	v9 =	vperm.xlane v37, v3  }
0x1ee: {  	v38 =	vadd.f32 s23, v12  }
0x1ef: {  	v40, _, _ =	vpop (xrf2);
	v9 =	vadd.f32 s22, v9  }
0x1f0: {  	s24 =	sld [smem:s19+$0x0];
	v10 =	vadd.f32 v38, v4;
	v41, _, _ =	vpop (xrf2)  }
0x1f1: {  	s19 =	sadd.s32 $0x2, s19;
	v11 =	vperm.xlane v39, v3;
	v9 =	vadd.f32 v9, v4;
	v13 =	vperm.xlane v41, v3;
	v42, _, _ =	vpop (xrf2)  }
0x1f2: {  	v7 =	vnsel vm0, $0x0, v7;
	s28 =	sld [smem:s19+$0xFFFFFFFF];
	(erf) = vrcp.f32 v10;
	v44 =	vperm.xlane v14, v3;
	v15, _, _ =	vpop (xrf2)  }
0x1f3: {  	(xrf2) =	vadd.scan.msk.f32 $0xffff, v11;
	(erf) = vrcp.f32 v9;
	v13 =	vadd.f32 s24, v13;
	v15 =	vperm.xlane v15, v3;
	v16, _, _ =	vpop (xrf2)  }
0x1f4: {  	s29 =	sadd.s32 $0x2, s26;
	v6 =	vadd.f32 s3, v6;
	v5 =	vadd.f32 v7, v5;
	s19 =	sld [smem:s19+$0x0];
	v45, _, _ =	vpop (xrf2)  }
0x1f5: {  	s30 =	sld [smem:s29+$0xFFFFFFFF];
	v47 =	vpop (erf);
	(xrf2) =	vadd.scan.msk.f32 $0xffff, v44;
	v43 =	vadd.f32 v13, v4;
	v46 =	vadd.f32 s28, v15;
	v13 =	vperm.xlane v45, v3  }
0x1f6: {  	v8 =	vperm.xlane v36, v3;
	vm9 =	vgt.f32 v6, $0.0e+00;
	v7 =	vmul.f32 v47, v6  }
0x1f7: {  	s31 =	sld [smem:s29+$0x0];
	s23 =	sadd.s32 $0x2, s29;
	(erf) = vrcp.f32 v43;
	v48 =	vadd.f32 v46, v4;
	v49 =	vadd.f32 s19, v13  }
0x1f8: {  	v8 =	vadd.f32 s30, v8;
	v7 =	vnsel vm9, $0x0, v7;
	v50 =	vperm.xlane v40, v3;
	s24 =	sld [smem:s23+$0xFFFFFFFF]  }
0x1f9: {  	v51 =	vpop (erf);
	v10 =	vperm.xlane v42, v3;
	(erf) = vrcp.f32 v48;
	v4 =	vadd.f32 v49, v4  }
0x1fa: {  	v5 =	vadd.f32 v7, v5;
	v52 =	vmul.f32 v51, v8;
	v6 =	vadd.f32 s31, v50  }
0x1fb: {  	vm10 =	vgt.f32 v8, $0.0e+00;
	v53 =	vpop (erf);
	v54 =	vadd.f32 s24, v10;
	(erf) = vrcp.f32 v4  }
0x1fc: {  	s26 =	sld [smem:s23+$0x0];
	v7 =	vnsel vm10, $0x0, v52;
	vm11 =	vgt.f32 v6, $0.0e+00;
	v55 =	vpop (erf);
	v4 =	vmul.f32 v53, v6  }
0x1fd: {  	v5 =	vadd.f32 v7, v5;
	s28 =	sadd.s32 $0x2, s23;
	v56 =	vperm.xlane v16, v3;
	v58, _, _ =	vpop (xrf2);
	v57 =	vmul.f32 v55, v54  }
0x1fe: {  	vm12 =	vgt.f32 v54, $0.0e+00;
	v60 =	vperm.xlane v58, v3;
	s19 =	sld [smem:s28+$0xFFFFFFFF];
	v4 =	vnsel vm11, $0x0, v4  }
0x1ff: {  	v61, _, _ =	vpop (xrf2);
	v6 =	vadd.f32 s26, v56;
	v4 =	vadd.f32 v4, v5;
	v5 =	vnsel vm12, $0x0, v57  }
0x200: {  	s29 =	sld [smem:s28+$0x0];
	v59 =	vpop (erf)  }
0x201: {  	v7 =	vperm.xlane v61, v3;
	v8 =	vadd.f32 s19, v60;
	v62 =	vmul.f32 v59, v6  }
0x202: {  	vm13 =	vgt.f32 v6, $0.0e+00;
	v4 =	vadd.f32 v5, v4;
	v5 =	vpop (erf)  }
0x203: {  	v7 =	vadd.f32 s29, v7;
	v6 =	vnsel vm13, $0x0, v62;
	v5 =	vmul.f32 v5, v8  }
0x204: {  	vm14 =	vgt.f32 v8, $0.0e+00;
	v4 =	vadd.f32 v6, v4;
	v63 =	vpop (erf)  }
0x205: {  	v5 =	vnsel vm14, $0x0, v5;
	v6 =	vmul.f32 v63, v7  }
0x206: {  	vm15 =	vgt.f32 v7, $0.0e+00;
	v4 =	vadd.f32 v5, v4  }
0x207: {  	v5 =	vnsel vm15, $0x0, v6  }
0x208: {  	v4 =	vadd.f32 v5, v4;
	_ =	sdelay $0x1  }
0x209: {  	(xrf2) =	vadd.scan.msk.f32 $0xffff, v4;
	_ =	sdelay $0x9  }
0x20a: {  	v4, _, _ =	vpop (xrf2)  }
0x20b: {  	(v2sf) =	vpush v4, $0xF;
	_ =	sdelay $0xe  }
0x20c: {  	s30 =	spop (v2sf)  }
0x20d: {  	s0 =	sadd.f32 $-1.000000000e+00, s30;
	_ =	sdelay $0x1  }
0x20e: {  	s0 =	smul.f32 $1.956947150e-03, s0;
	_ =	sdelay $0x1  }
0x20f: {  	v4 =	vmov s0  }
.Ltmp19:
0x210: {  	s31 =	simm.s32 $0x12800;
	[tilespmem:$0x12800] =	vst v4;
	(pc) =	sbr.rel .LBB2_33-.Ltmp19, $4  }
0x211: {  	[hbm4b:s12+s4] =	stream.linear.scatter [tilespmem:s31], [sflag:$0x3], $0x80, $0x38;
	[tilespmem:$0x12C80] =	vst v63  }
0x212: {  	_ =	swait.ge [sflag:s20], $0x80  }
0x213: {  	[sflag:s20] =	ssyncset.done $0x0  }
0x214: {  	s19 =	simm.s32 $0x12000;
	[sflag:s20] =	ssyncadd.s32 $0xFFFFFF80  }
.LBB2_34:
0x215: {  	_ =	sfence.sel $0x180000  }
0x216: {  	[bflag:$0x0] =	sbarrier.arrive $0xFFFF  }
0x217: {  	_ =	strace $0x90000047  }
0x218: {  	s0 =	stileid.u32;
	[bflag:$0x2] =	sbarrier.arrive $0xFFFF  }
0x219: {  	p0 =	sne.s32 s0, $0x0;
	s0 =	rddreg [dreg:$0x4]  }
0x21a: {  	s0 =	sadd.s32 @!p0 $0x100000, s0  }
0x21b: {  	[sflag:s0] =	ssyncadd.tile.s32 @!p0 $0x1;
	_ =	shalt  }
.Lfunc_end2:
_tile_overlayer_lowered:
.L_overlay_start_2:
0x21c: {  	(tag) =	ssettag $0x2  }
0x21d: {  	s0 =	rddreg [dreg:$0x0];
	s2 =	stileid.u32  }
0x21e: {  	s1 =	rddreg [dreg:$0x1];
	p0 =	sne.s32 s2, $0x0  }
0x21f: {  	s3 =	rddreg [dreg:$0x2];
	[bflag:$0x3] =	sbarrier.arrive $0xFFFF;
	s2 =	simm.s32 @!p0 $0x1C03  }
0x220: {  	[timem:s3], [sflag:s2] =	dma.local @!p0 [hbm:s0], s1  }
0x221: {  	s0 =	simm.s32 @!p0 $0x3  }
0x222: {  	_ =	swait.ge @!p0 [sflag:s0], s1  }
0x223: {  	s1 =	ssub.s32 @!p0 $0x0, s1;
	[sflag:s0] =	ssyncset.done @!p0 $0x0  }
0x224: {  	[sflag:s0] =	ssyncadd.s32 @!p0 s1  }
0x225: {  	[bflag:$0x3] =	sbarrier.arrive $0xFFFF  }
0x226: {  	_ =	shalt  }

</sc_bundles>
